<compile_context>
chip_gen: v7x
topology: tpu7x:2x2x1
jax: 0.10.2.dev20260603
libtpu: 0.0.44.dev20260713+nightly
codegen_flags: <defaults>
</compile_context>

<pallas_src>
import functools

import jax
import jax.numpy as jnp
from jax import lax
from jax.experimental import pallas as pl
from jax.experimental.pallas import tpu as pltpu
from jax.experimental.pallas import tpu_sc as plsc

_PROB = 0.12


def _neighbor_indices(T):
    k1, k2 = jax.random.split(jax.random.key(42))
    replace = jax.random.bernoulli(k1, _PROB, (T,))
    direction = jnp.where(jax.random.bernoulli(k2, 0.5, (T,)), 1, -1)
    idx = jnp.arange(T)
    direction = jnp.where(idx == 0, 1, direction)
    direction = jnp.where(idx == T - 1, -1, direction)
    return jnp.where(replace, idx + direction, idx)


_L = 16


def _make_sc_kernel(R, T, rows_per_worker, RB):
    mesh = plsc.VectorSubcoreMesh(core_axis_name="c", subcore_axis_name="s")
    n_blocks = rows_per_worker // RB
    blk = RB * T

    @functools.partial(
        pl.kernel,
        mesh=mesh,
        out_type=jax.ShapeDtypeStruct((R * T,), jnp.float32),
        compiler_params=pltpu.CompilerParams(needs_layout_passes=False),
        scratch_types=[
            pltpu.VMEM((T,), jnp.int32),
            pltpu.VMEM((blk,), jnp.float32),
            pltpu.VMEM((blk,), jnp.float32),
            pltpu.VMEM((blk,), jnp.float32),
            pltpu.VMEM((blk,), jnp.float32),
            pltpu.SemaphoreType.DMA,
            pltpu.SemaphoreType.DMA,
            pltpu.SemaphoreType.DMA,
            pltpu.SemaphoreType.DMA,
        ],
    )
    def k(x_hbm, nb_hbm, out_hbm, idx_v, in0, in1, out0, out1,
          sin0, sin1, sout0, sout1):
        wid = lax.axis_index("s") * 2 + lax.axis_index("c")
        pltpu.sync_copy(nb_hbm, idx_v)
        base0 = wid * rows_per_worker * T
        ins = (in0, in1)
        outs = (out0, out1)
        sins = (sin0, sin1)
        souts = (sout0, sout1)

        def start_in(b, ph):
            pltpu.async_copy(x_hbm.at[pl.ds(base0 + b * blk, blk)],
                             ins[ph], sins[ph])

        def wait_in(ph):
            pltpu.make_async_copy(x_hbm.at[pl.ds(base0, blk)],
                                  ins[ph], sins[ph]).wait()

        def start_out(b, ph):
            pltpu.async_copy(outs[ph],
                             out_hbm.at[pl.ds(base0 + b * blk, blk)],
                             souts[ph])

        def wait_out(ph):
            pltpu.make_async_copy(outs[ph],
                                  out_hbm.at[pl.ds(base0, blk)],
                                  souts[ph]).wait()

        start_in(0, 0)
        start_in(1, 1)

        @pl.loop(0, n_blocks, step=2)
        def blocks(g):
            for ph in (0, 1):
                b = g + ph
                wait_in(ph)

                @pl.when(b >= 2)
                def _():
                    wait_out(ph)

                in_v = ins[ph]
                out_v = outs[ph]

                @plsc.parallel_loop(0, T, _L, unroll=4)
                def chunk(t0):
                    nb = idx_v[pl.ds(t0, _L)]
                    for r in range(RB):
                        v = plsc.load_gather(in_v, [nb + r * T])
                        out_v[pl.ds(t0 + r * T, _L)] = v

                start_out(b, ph)

                @pl.when(b + 2 < n_blocks)
                def _():
                    start_in(b + 2, ph)

        wait_out(0)
        wait_out(1)

    return k


def kernel(quantized):
    B, C, T = quantized.shape
    R = B * C
    n_workers = 32
    rows_per_worker = R // n_workers
    RB = 4
    neighbor = _neighbor_indices(T).astype(jnp.int32)
    x = quantized.reshape(R * T)
    out = _make_sc_kernel(R, T, rows_per_worker, RB)(x, neighbor)
    return out.reshape(B, C, T)

# --- scband reference (transcript-rebuilt; emitter-appended) ---
"""Pipeline reference for scband-jitter-2370821947465 (READ-ONLY COPY).

The authoritative reference and input builder live on the scoring server;
editing this copy changes nothing except your own understanding.
"""

import jax, jax.numpy as jnp
import numpy as np

PROB = 0.12


def _jitter_indices(T, key):
    # Faithful translation of the per-timestep numpy sampling in the torch module:
    # each timestep is replaced with a neighbor with probability PROB; interior
    # timesteps pick -1/+1 uniformly, boundaries are forced inward.
    k1, k2 = jax.random.split(key)
    replace = jax.random.bernoulli(k1, PROB, (T,))
    direction = jnp.where(jax.random.bernoulli(k2, 0.5, (T,)), 1, -1)
    idx = jnp.arange(T)
    direction = jnp.where(idx == 0, 1, direction)
    direction = jnp.where(idx == T - 1, -1, direction)
    neighbor = jnp.where(replace, idx + direction, idx)
    return neighbor


def setup_inputs(seed: int = 0) -> dict:
    key = jax.random.key(seed)
    quantized = jax.random.normal(key, (32, 256, 4096), dtype=jnp.float32)
    return {"quantized": quantized}


def reference(quantized):
    T = quantized.shape[2]
    neighbor = _jitter_indices(T, jax.random.key(42))
    # gather along the time axis (dim 2), same as quantized[:, :, i] = original[:, :, neighbor_index]
    out = jnp.take(quantized, neighbor, axis=2)
    return out

if __name__ == "__main__":
    import jax
    _d = setup_inputs()
    print(jax.jit(kernel)(*tuple(_d.values())))

</pallas_src>

<mosaic_0001>
#map = affine_map<(d0, d1) -> (0)>
module attributes {stable_mosaic.version = 14 : i64} {
  func.func @k(%arg0: i32, %arg1: i32, %arg2: memref<33554432xf32, #tpu.memory_space<hbm>>, %arg3: memref<4096xi32, #tpu.memory_space<hbm>>, %arg4: memref<33554432xf32, #tpu.memory_space<hbm>>, %arg5: memref<4096xi32, #tpu.memory_space<vmem>>, %arg6: memref<16384xf32, #tpu.memory_space<vmem>>, %arg7: memref<16384xf32, #tpu.memory_space<vmem>>, %arg8: memref<16384xf32, #tpu.memory_space<vmem>>, %arg9: memref<16384xf32, #tpu.memory_space<vmem>>, %arg10: memref<!tpu.dma_semaphore, #tpu.memory_space<semaphore_mem>>, %arg11: memref<!tpu.dma_semaphore, #tpu.memory_space<semaphore_mem>>, %arg12: memref<!tpu.dma_semaphore, #tpu.memory_space<semaphore_mem>>, %arg13: memref<!tpu.dma_semaphore, #tpu.memory_space<semaphore_mem>>) attributes {dimension_semantics = [#tpu.dimension_semantics<core_parallel>, #tpu.dimension_semantics<subcore_parallel>], iteration_bounds = array<i64: 2, 16>, scalar_prefetch = 0 : i64, scratch_operands = 9 : i64, tpu.core_type = #tpu.core_type<sc_vector_subcore>, window_params = [{transform_indices = #map}, {transform_indices = #map}, {transform_indices = #map}]} {
    %mul3A = arith.constant 2 : i32
    %mul3A_0 = arith.muli %arg1, %mul3A : i32
    %add3A = arith.addi %mul3A_0, %arg0 : i32
    "tpu.region"() ({
      %run_scoped3A = tpu.sem_alloc : memref<!tpu.dma_semaphore, #tpu.memory_space<semaphore_mem>>
      tpu.enqueue_dma source(%arg3 : memref<4096xi32, #tpu.memory_space<hbm>>) target(%arg5 : memref<4096xi32, #tpu.memory_space<vmem>>) target_semaphore(%run_scoped3A : memref<!tpu.dma_semaphore, #tpu.memory_space<semaphore_mem>>)
      tpu.wait_dma2 semaphore(%run_scoped3A : memref<!tpu.dma_semaphore, #tpu.memory_space<semaphore_mem>>) src(%arg3 : memref<4096xi32, #tpu.memory_space<hbm>>) dst(%arg5 : memref<4096xi32, #tpu.memory_space<vmem>>)
      tpu.yield
    }) : () -> ()
    %mul3A_1 = arith.constant 256 : i32
    %mul3A_2 = arith.muli %add3A, %mul3A_1 : i32
    %mul3A_3 = arith.constant 4096 : i32
    %mul3A_4 = arith.muli %mul3A_2, %mul3A_3 : i32
    %add3A_5 = arith.constant 0 : i32
    %add3A_6 = arith.addi %mul3A_4, %add3A_5 : i32
    %dma_start3A = tpu.memref_slice %arg2[%add3A_6] : memref<33554432xf32, #tpu.memory_space<hbm>> -> memref<16384xf32, #tpu.memory_space<hbm>>
    %dma_start3A_7 = tpu.memref_slice %arg2[%add3A_6] : memref<33554432xf32, #tpu.memory_space<hbm>> -> memref<16384xf32, #tpu.memory_space<hbm>>
    tpu.enqueue_dma source(%dma_start3A_7 : memref<16384xf32, #tpu.memory_space<hbm>>) target(%arg6 : memref<16384xf32, #tpu.memory_space<vmem>>) target_semaphore(%arg10 : memref<!tpu.dma_semaphore, #tpu.memory_space<semaphore_mem>>)
    %add3A_8 = arith.constant 16384 : i32
    %add3A_9 = arith.addi %mul3A_4, %add3A_8 : i32
    %dma_start3A_10 = tpu.memref_slice %arg2[%add3A_9] : memref<33554432xf32, #tpu.memory_space<hbm>> -> memref<16384xf32, #tpu.memory_space<hbm>>
    %dma_start3A_11 = tpu.memref_slice %arg2[%add3A_9] : memref<33554432xf32, #tpu.memory_space<hbm>> -> memref<16384xf32, #tpu.memory_space<hbm>>
    tpu.enqueue_dma source(%dma_start3A_11 : memref<16384xf32, #tpu.memory_space<hbm>>) target(%arg7 : memref<16384xf32, #tpu.memory_space<vmem>>) target_semaphore(%arg11 : memref<!tpu.dma_semaphore, #tpu.memory_space<semaphore_mem>>)
    %scan3A = arith.constant 0 : i32
    %scan3A_12 = arith.constant 32 : i32
    %scan3A_13 = arith.addi %scan3A, %scan3A_12 : i32
    %scan3A_14 = arith.constant 1 : i32
    scf.for %scan3A_19 = %scan3A to %scan3A_13 step %scan3A_14  : i32 {
      %mul3A_20 = arith.constant 2 : i32
      %mul3A_21 = arith.muli %scan3A_19, %mul3A_20 : i32
      %add3A_22 = arith.constant 0 : i32
      %add3A_23 = arith.addi %add3A_22, %mul3A_21 : i32
      %add3A_24 = arith.constant 0 : i32
      %add3A_25 = arith.addi %add3A_23, %add3A_24 : i32
      %dma_wait3A_26 = tpu.memref_slice %arg2[%mul3A_4] : memref<33554432xf32, #tpu.memory_space<hbm>> -> memref<16384xf32, #tpu.memory_space<hbm>>
      %dma_wait3A_27 = tpu.memref_slice %arg2[%mul3A_4] : memref<33554432xf32, #tpu.memory_space<hbm>> -> memref<16384xf32, #tpu.memory_space<hbm>>
      tpu.wait_dma2 semaphore(%arg10 : memref<!tpu.dma_semaphore, #tpu.memory_space<semaphore_mem>>) src(%dma_wait3A_27 : memref<16384xf32, #tpu.memory_space<hbm>>) dst(%arg6 : memref<16384xf32, #tpu.memory_space<vmem>>)
      %ge3A = arith.constant 2 : i32
      %ge3A_28 = arith.cmpi sge, %add3A_25, %ge3A : i32
      %convert_element_type3A = arith.extui %ge3A_28 : i1 to i32
      %cond3A = arith.constant 0 : i32
      %cond3A_29 = arith.cmpi ne, %convert_element_type3A, %cond3A : i32
      scf.if %cond3A_29 {
        %dma_wait3A_67 = tpu.memref_slice %arg4[%mul3A_4] : memref<33554432xf32, #tpu.memory_space<hbm>> -> memref<16384xf32, #tpu.memory_space<hbm>>
        %dma_wait3A_68 = tpu.memref_slice %arg4[%mul3A_4] : memref<33554432xf32, #tpu.memory_space<hbm>> -> memref<16384xf32, #tpu.memory_space<hbm>>
        tpu.wait_dma2 semaphore(%arg12 : memref<!tpu.dma_semaphore, #tpu.memory_space<semaphore_mem>>) src(%arg8 : memref<16384xf32, #tpu.memory_space<vmem>>) dst(%dma_wait3A_68 : memref<16384xf32, #tpu.memory_space<hbm>>)
      } else {
      }
      %parallel_loop3A = arith.constant 0 : i32
      %parallel_loop3A_30 = arith.constant 4096 : i32
      %parallel_loop3A_31 = arith.constant 16 : i32
      scf.for %parallel_loop3A_67 = %parallel_loop3A to %parallel_loop3A_30 step %parallel_loop3A_31  : i32 {
        %parallel_loop3A_68 = arith.index_cast %parallel_loop3A_67 : i32 to index
        %parallel_loop3A_69 = tpu.vector_load %arg5[%parallel_loop3A_68] {strides = array<i32>} : memref<4096xi32, #tpu.memory_space<vmem>>, vector<16xi32>,
        %parallel_loop3A_70 = arith.constant 0 : i32
        %parallel_loop3A_71 = vector.broadcast %parallel_loop3A_70 : i32 to vector<16xi32>
        %parallel_loop3A_72 = arith.addi %parallel_loop3A_69, %parallel_loop3A_71 : vector<16xi32>
        %parallel_loop3A_73 = tpu.vector_load_idx %arg6[%parallel_loop3A_72] : memref<16384xf32, #tpu.memory_space<vmem>>[vector<16xi32>], vector<16xf32>,
        %parallel_loop3A_74 = arith.constant 0 : i32
        %parallel_loop3A_75 = arith.addi %parallel_loop3A_67, %parallel_loop3A_74 : i32
        %parallel_loop3A_76 = arith.index_cast %parallel_loop3A_75 : i32 to index
        %parallel_loop3A_77 = tpu.vector_load %arg8[%parallel_loop3A_76] {strides = array<i32>} : memref<16384xf32, #tpu.memory_space<vmem>>, vector<16xf32>,
        tpu.vector_store %arg8[%parallel_loop3A_76], %parallel_loop3A_73 {strides = array<i32>} : memref<16384xf32, #tpu.memory_space<vmem>>, vector<16xf32>,
        %parallel_loop3A_78 = arith.constant 4096 : i32
        %parallel_loop3A_79 = vector.broadcast %parallel_loop3A_78 : i32 to vector<16xi32>
        %parallel_loop3A_80 = arith.addi %parallel_loop3A_69, %parallel_loop3A_79 : vector<16xi32>
        %parallel_loop3A_81 = tpu.vector_load_idx %arg6[%parallel_loop3A_80] : memref<16384xf32, #tpu.memory_space<vmem>>[vector<16xi32>], vector<16xf32>,
        %parallel_loop3A_82 = arith.constant 4096 : i32
        %parallel_loop3A_83 = arith.addi %parallel_loop3A_67, %parallel_loop3A_82 : i32
        %parallel_loop3A_84 = arith.index_cast %parallel_loop3A_83 : i32 to index
        %parallel_loop3A_85 = tpu.vector_load %arg8[%parallel_loop3A_84] {strides = array<i32>} : memref<16384xf32, #tpu.memory_space<vmem>>, vector<16xf32>,
        tpu.vector_store %arg8[%parallel_loop3A_84], %parallel_loop3A_81 {strides = array<i32>} : memref<16384xf32, #tpu.memory_space<vmem>>, vector<16xf32>,
        %parallel_loop3A_86 = arith.constant 8192 : i32
        %parallel_loop3A_87 = vector.broadcast %parallel_loop3A_86 : i32 to vector<16xi32>
        %parallel_loop3A_88 = arith.addi %parallel_loop3A_69, %parallel_loop3A_87 : vector<16xi32>
        %parallel_loop3A_89 = tpu.vector_load_idx %arg6[%parallel_loop3A_88] : memref<16384xf32, #tpu.memory_space<vmem>>[vector<16xi32>], vector<16xf32>,
        %parallel_loop3A_90 = arith.constant 8192 : i32
        %parallel_loop3A_91 = arith.addi %parallel_loop3A_67, %parallel_loop3A_90 : i32
        %parallel_loop3A_92 = arith.index_cast %parallel_loop3A_91 : i32 to index
        %parallel_loop3A_93 = tpu.vector_load %arg8[%parallel_loop3A_92] {strides = array<i32>} : memref<16384xf32, #tpu.memory_space<vmem>>, vector<16xf32>,
        tpu.vector_store %arg8[%parallel_loop3A_92], %parallel_loop3A_89 {strides = array<i32>} : memref<16384xf32, #tpu.memory_space<vmem>>, vector<16xf32>,
        %parallel_loop3A_94 = arith.constant 12288 : i32
        %parallel_loop3A_95 = vector.broadcast %parallel_loop3A_94 : i32 to vector<16xi32>
        %parallel_loop3A_96 = arith.addi %parallel_loop3A_69, %parallel_loop3A_95 : vector<16xi32>
        %parallel_loop3A_97 = tpu.vector_load_idx %arg6[%parallel_loop3A_96] : memref<16384xf32, #tpu.memory_space<vmem>>[vector<16xi32>], vector<16xf32>,
        %parallel_loop3A_98 = arith.constant 12288 : i32
        %parallel_loop3A_99 = arith.addi %parallel_loop3A_67, %parallel_loop3A_98 : i32
        %parallel_loop3A_100 = arith.index_cast %parallel_loop3A_99 : i32 to index
        %parallel_loop3A_101 = tpu.vector_load %arg8[%parallel_loop3A_100] {strides = array<i32>} : memref<16384xf32, #tpu.memory_space<vmem>>, vector<16xf32>,
        tpu.vector_store %arg8[%parallel_loop3A_100], %parallel_loop3A_97 {strides = array<i32>} : memref<16384xf32, #tpu.memory_space<vmem>>, vector<16xf32>,
      } {sc.loop_unroll_factor = 4 : i64, sc.parallel_access}
      %mul3A_32 = arith.constant 16384 : i32
      %mul3A_33 = arith.muli %add3A_25, %mul3A_32 : i32
      %add3A_34 = arith.addi %mul3A_4, %mul3A_33 : i32
      %dma_start3A_35 = tpu.memref_slice %arg4[%add3A_34] : memref<33554432xf32, #tpu.memory_space<hbm>> -> memref<16384xf32, #tpu.memory_space<hbm>>
      %dma_start3A_36 = tpu.memref_slice %arg4[%add3A_34] : memref<33554432xf32, #tpu.memory_space<hbm>> -> memref<16384xf32, #tpu.memory_space<hbm>>
      tpu.enqueue_dma source(%arg8 : memref<16384xf32, #tpu.memory_space<vmem>>) target(%dma_start3A_36 : memref<16384xf32, #tpu.memory_space<hbm>>) target_semaphore(%arg12 : memref<!tpu.dma_semaphore, #tpu.memory_space<semaphore_mem>>)
      %add3A_37 = arith.constant 2 : i32
      %add3A_38 = arith.addi %add3A_25, %add3A_37 : i32
      %lt3A = arith.constant 64 : i32
      %lt3A_39 = arith.cmpi slt, %add3A_38, %lt3A : i32
      %convert_element_type3A_40 = arith.extui %lt3A_39 : i1 to i32
      %cond3A_41 = arith.constant 0 : i32
      %cond3A_42 = arith.cmpi ne, %convert_element_type3A_40, %cond3A_41 : i32
      scf.if %cond3A_42 {
        %add3A_67 = arith.constant 2 : i32
        %add3A_68 = arith.addi %add3A_25, %add3A_67 : i32
        %mul3A_69 = arith.constant 16384 : i32
        %mul3A_70 = arith.muli %add3A_68, %mul3A_69 : i32
        %add3A_71 = arith.addi %mul3A_4, %mul3A_70 : i32
        %dma_start3A_72 = tpu.memref_slice %arg2[%add3A_71] : memref<33554432xf32, #tpu.memory_space<hbm>> -> memref<16384xf32, #tpu.memory_space<hbm>>
        %dma_start3A_73 = tpu.memref_slice %arg2[%add3A_71] : memref<33554432xf32, #tpu.memory_space<hbm>> -> memref<16384xf32, #tpu.memory_space<hbm>>
        tpu.enqueue_dma source(%dma_start3A_73 : memref<16384xf32, #tpu.memory_space<hbm>>) target(%arg6 : memref<16384xf32, #tpu.memory_space<vmem>>) target_semaphore(%arg10 : memref<!tpu.dma_semaphore, #tpu.memory_space<semaphore_mem>>)
      } else {
      }
      %add3A_43 = arith.constant 1 : i32
      %add3A_44 = arith.addi %add3A_23, %add3A_43 : i32
      %dma_wait3A_45 = tpu.memref_slice %arg2[%mul3A_4] : memref<33554432xf32, #tpu.memory_space<hbm>> -> memref<16384xf32, #tpu.memory_space<hbm>>
      %dma_wait3A_46 = tpu.memref_slice %arg2[%mul3A_4] : memref<33554432xf32, #tpu.memory_space<hbm>> -> memref<16384xf32, #tpu.memory_space<hbm>>
      tpu.wait_dma2 semaphore(%arg11 : memref<!tpu.dma_semaphore, #tpu.memory_space<semaphore_mem>>) src(%dma_wait3A_46 : memref<16384xf32, #tpu.memory_space<hbm>>) dst(%arg7 : memref<16384xf32, #tpu.memory_space<vmem>>)
      %ge3A_47 = arith.constant 2 : i32
      %ge3A_48 = arith.cmpi sge, %add3A_44, %ge3A_47 : i32
      %convert_element_type3A_49 = arith.extui %ge3A_48 : i1 to i32
      %cond3A_50 = arith.constant 0 : i32
      %cond3A_51 = arith.cmpi ne, %convert_element_type3A_49, %cond3A_50 : i32
      scf.if %cond3A_51 {
        %dma_wait3A_67 = tpu.memref_slice %arg4[%mul3A_4] : memref<33554432xf32, #tpu.memory_space<hbm>> -> memref<16384xf32, #tpu.memory_space<hbm>>
        %dma_wait3A_68 = tpu.memref_slice %arg4[%mul3A_4] : memref<33554432xf32, #tpu.memory_space<hbm>> -> memref<16384xf32, #tpu.memory_space<hbm>>
        tpu.wait_dma2 semaphore(%arg13 : memref<!tpu.dma_semaphore, #tpu.memory_space<semaphore_mem>>) src(%arg9 : memref<16384xf32, #tpu.memory_space<vmem>>) dst(%dma_wait3A_68 : memref<16384xf32, #tpu.memory_space<hbm>>)
      } else {
      }
      %parallel_loop3A_52 = arith.constant 0 : i32
      %parallel_loop3A_53 = arith.constant 4096 : i32
      %parallel_loop3A_54 = arith.constant 16 : i32
      scf.for %parallel_loop3A_67 = %parallel_loop3A_52 to %parallel_loop3A_53 step %parallel_loop3A_54  : i32 {
        %parallel_loop3A_68 = arith.index_cast %parallel_loop3A_67 : i32 to index
        %parallel_loop3A_69 = tpu.vector_load %arg5[%parallel_loop3A_68] {strides = array<i32>} : memref<4096xi32, #tpu.memory_space<vmem>>, vector<16xi32>,
        %parallel_loop3A_70 = arith.constant 0 : i32
        %parallel_loop3A_71 = vector.broadcast %parallel_loop3A_70 : i32 to vector<16xi32>
        %parallel_loop3A_72 = arith.addi %parallel_loop3A_69, %parallel_loop3A_71 : vector<16xi32>
        %parallel_loop3A_73 = tpu.vector_load_idx %arg7[%parallel_loop3A_72] : memref<16384xf32, #tpu.memory_space<vmem>>[vector<16xi32>], vector<16xf32>,
        %parallel_loop3A_74 = arith.constant 0 : i32
        %parallel_loop3A_75 = arith.addi %parallel_loop3A_67, %parallel_loop3A_74 : i32
        %parallel_loop3A_76 = arith.index_cast %parallel_loop3A_75 : i32 to index
        %parallel_loop3A_77 = tpu.vector_load %arg9[%parallel_loop3A_76] {strides = array<i32>} : memref<16384xf32, #tpu.memory_space<vmem>>, vector<16xf32>,
        tpu.vector_store %arg9[%parallel_loop3A_76], %parallel_loop3A_73 {strides = array<i32>} : memref<16384xf32, #tpu.memory_space<vmem>>, vector<16xf32>,
        %parallel_loop3A_78 = arith.constant 4096 : i32
        %parallel_loop3A_79 = vector.broadcast %parallel_loop3A_78 : i32 to vector<16xi32>
        %parallel_loop3A_80 = arith.addi %parallel_loop3A_69, %parallel_loop3A_79 : vector<16xi32>
        %parallel_loop3A_81 = tpu.vector_load_idx %arg7[%parallel_loop3A_80] : memref<16384xf32, #tpu.memory_space<vmem>>[vector<16xi32>], vector<16xf32>,
        %parallel_loop3A_82 = arith.constant 4096 : i32
        %parallel_loop3A_83 = arith.addi %parallel_loop3A_67, %parallel_loop3A_82 : i32
        %parallel_loop3A_84 = arith.index_cast %parallel_loop3A_83 : i32 to index
        %parallel_loop3A_85 = tpu.vector_load %arg9[%parallel_loop3A_84] {strides = array<i32>} : memref<16384xf32, #tpu.memory_space<vmem>>, vector<16xf32>,
        tpu.vector_store %arg9[%parallel_loop3A_84], %parallel_loop3A_81 {strides = array<i32>} : memref<16384xf32, #tpu.memory_space<vmem>>, vector<16xf32>,
        %parallel_loop3A_86 = arith.constant 8192 : i32
        %parallel_loop3A_87 = vector.broadcast %parallel_loop3A_86 : i32 to vector<16xi32>
        %parallel_loop3A_88 = arith.addi %parallel_loop3A_69, %parallel_loop3A_87 : vector<16xi32>
        %parallel_loop3A_89 = tpu.vector_load_idx %arg7[%parallel_loop3A_88] : memref<16384xf32, #tpu.memory_space<vmem>>[vector<16xi32>], vector<16xf32>,
        %parallel_loop3A_90 = arith.constant 8192 : i32
        %parallel_loop3A_91 = arith.addi %parallel_loop3A_67, %parallel_loop3A_90 : i32
        %parallel_loop3A_92 = arith.index_cast %parallel_loop3A_91 : i32 to index
        %parallel_loop3A_93 = tpu.vector_load %arg9[%parallel_loop3A_92] {strides = array<i32>} : memref<16384xf32, #tpu.memory_space<vmem>>, vector<16xf32>,
        tpu.vector_store %arg9[%parallel_loop3A_92], %parallel_loop3A_89 {strides = array<i32>} : memref<16384xf32, #tpu.memory_space<vmem>>, vector<16xf32>,
        %parallel_loop3A_94 = arith.constant 12288 : i32
        %parallel_loop3A_95 = vector.broadcast %parallel_loop3A_94 : i32 to vector<16xi32>
        %parallel_loop3A_96 = arith.addi %parallel_loop3A_69, %parallel_loop3A_95 : vector<16xi32>
        %parallel_loop3A_97 = tpu.vector_load_idx %arg7[%parallel_loop3A_96] : memref<16384xf32, #tpu.memory_space<vmem>>[vector<16xi32>], vector<16xf32>,
        %parallel_loop3A_98 = arith.constant 12288 : i32
        %parallel_loop3A_99 = arith.addi %parallel_loop3A_67, %parallel_loop3A_98 : i32
        %parallel_loop3A_100 = arith.index_cast %parallel_loop3A_99 : i32 to index
        %parallel_loop3A_101 = tpu.vector_load %arg9[%parallel_loop3A_100] {strides = array<i32>} : memref<16384xf32, #tpu.memory_space<vmem>>, vector<16xf32>,
        tpu.vector_store %arg9[%parallel_loop3A_100], %parallel_loop3A_97 {strides = array<i32>} : memref<16384xf32, #tpu.memory_space<vmem>>, vector<16xf32>,
      } {sc.loop_unroll_factor = 4 : i64, sc.parallel_access}
      %mul3A_55 = arith.constant 16384 : i32
      %mul3A_56 = arith.muli %add3A_44, %mul3A_55 : i32
      %add3A_57 = arith.addi %mul3A_4, %mul3A_56 : i32
      %dma_start3A_58 = tpu.memref_slice %arg4[%add3A_57] : memref<33554432xf32, #tpu.memory_space<hbm>> -> memref<16384xf32, #tpu.memory_space<hbm>>
      %dma_start3A_59 = tpu.memref_slice %arg4[%add3A_57] : memref<33554432xf32, #tpu.memory_space<hbm>> -> memref<16384xf32, #tpu.memory_space<hbm>>
      tpu.enqueue_dma source(%arg9 : memref<16384xf32, #tpu.memory_space<vmem>>) target(%dma_start3A_59 : memref<16384xf32, #tpu.memory_space<hbm>>) target_semaphore(%arg13 : memref<!tpu.dma_semaphore, #tpu.memory_space<semaphore_mem>>)
      %add3A_60 = arith.constant 2 : i32
      %add3A_61 = arith.addi %add3A_44, %add3A_60 : i32
      %lt3A_62 = arith.constant 64 : i32
      %lt3A_63 = arith.cmpi slt, %add3A_61, %lt3A_62 : i32
      %convert_element_type3A_64 = arith.extui %lt3A_63 : i1 to i32
      %cond3A_65 = arith.constant 0 : i32
      %cond3A_66 = arith.cmpi ne, %convert_element_type3A_64, %cond3A_65 : i32
      scf.if %cond3A_66 {
        %add3A_67 = arith.constant 2 : i32
        %add3A_68 = arith.addi %add3A_44, %add3A_67 : i32
        %mul3A_69 = arith.constant 16384 : i32
        %mul3A_70 = arith.muli %add3A_68, %mul3A_69 : i32
        %add3A_71 = arith.addi %mul3A_4, %mul3A_70 : i32
        %dma_start3A_72 = tpu.memref_slice %arg2[%add3A_71] : memref<33554432xf32, #tpu.memory_space<hbm>> -> memref<16384xf32, #tpu.memory_space<hbm>>
        %dma_start3A_73 = tpu.memref_slice %arg2[%add3A_71] : memref<33554432xf32, #tpu.memory_space<hbm>> -> memref<16384xf32, #tpu.memory_space<hbm>>
        tpu.enqueue_dma source(%dma_start3A_73 : memref<16384xf32, #tpu.memory_space<hbm>>) target(%arg7 : memref<16384xf32, #tpu.memory_space<vmem>>) target_semaphore(%arg11 : memref<!tpu.dma_semaphore, #tpu.memory_space<semaphore_mem>>)
      } else {
      }
    }
    %scan3A_15 = arith.constant 32 : i32
    %dma_wait3A = tpu.memref_slice %arg4[%mul3A_4] : memref<33554432xf32, #tpu.memory_space<hbm>> -> memref<16384xf32, #tpu.memory_space<hbm>>
    %dma_wait3A_16 = tpu.memref_slice %arg4[%mul3A_4] : memref<33554432xf32, #tpu.memory_space<hbm>> -> memref<16384xf32, #tpu.memory_space<hbm>>
    tpu.wait_dma2 semaphore(%arg12 : memref<!tpu.dma_semaphore, #tpu.memory_space<semaphore_mem>>) src(%arg8 : memref<16384xf32, #tpu.memory_space<vmem>>) dst(%dma_wait3A_16 : memref<16384xf32, #tpu.memory_space<hbm>>)
    %dma_wait3A_17 = tpu.memref_slice %arg4[%mul3A_4] : memref<33554432xf32, #tpu.memory_space<hbm>> -> memref<16384xf32, #tpu.memory_space<hbm>>
    %dma_wait3A_18 = tpu.memref_slice %arg4[%mul3A_4] : memref<33554432xf32, #tpu.memory_space<hbm>> -> memref<16384xf32, #tpu.memory_space<hbm>>
    tpu.wait_dma2 semaphore(%arg13 : memref<!tpu.dma_semaphore, #tpu.memory_space<semaphore_mem>>) src(%arg9 : memref<16384xf32, #tpu.memory_space<vmem>>) dst(%dma_wait3A_18 : memref<16384xf32, #tpu.memory_space<hbm>>)
    return
  }
}

</mosaic_0001>

<sc_bundles>
// kernel: kernel.3.cloned.1.call-start
scs
__scs_entry_jumppad:
0x0: {  	(pc) =	sbr.rel $0x88, $3  }
0x1: {  	(tag) =	ssettag $0x0;
	lr =	simm.s32 $0x1  }
0x2: {  	[smem:$0x3FA0] =	sst lr;
	_ =	strace $0xD0000000  }
0x3: {  	_ = 	snop  }
0x4: {  	_ = 	snop  }
0x5: {  	_ = 	snop  }
0x6: {  	_ = 	snop  }
0x7: {  	_ = 	snop  }
__scs_overlays_trampoline_lowered:
0x8: {  	[smem:$0x3FAF] =	sst s0  }
0x9: {  	[smem:$0x3FB0] =	sst s1  }
0xa: {  	[smem:$0x3FB1] =	sst s2  }
0xb: {  	[smem:$0x3FB2] =	sst s3  }
0xc: {  	[smem:$0x3FB3] =	sst s4  }
0xd: {  	[smem:$0x3FB4] =	sst s5  }
0xe: {  	[smem:$0x3FB5] =	sst s6  }
0xf: {  	[smem:$0x3FB6] =	sst s7  }
0x10: {  	[smem:$0x3FB7] =	sst s8  }
0x11: {  	[smem:$0x3FB8] =	sst s9;
	s0 =	simm.s32 @!p0 $0x0  }
0x12: {  	s1 =	sld [smem:$0x3F9E];
	s0 =	simm.s32 @p0 $0x1  }
0x13: {  	[smem:$0x3FB9] =	sst s0;
	s0 =	simm.s32 @!p1 $0x0  }
0x14: {  	s2 =	sld [smem:$0x3F9D];
	s0 =	simm.s32 @p1 $0x1  }
0x15: {  	[smem:$0x3FBA] =	sst s0;
	s0 =	simm.s32 @!p2 $0x0  }
0x16: {  	s3 =	sld [smem:$0x3FDB];
	s0 =	simm.s32 @p2 $0x1  }
0x17: {  	s4 =	simm.s32 $0x1BF5;
	[smem:$0x3FBC] =	sst s0  }
0x18: {  	s0 =	sld [smem:$0x3F9F];
	_ =	swait.ge [sflag:s4], $0x0  }
0x19: {  	s7 =	sld [smem:$0x3FA0]  }
0x1a: {  	s8 =	sadd.s32 $0xFFFFE003, lr  }
0x1b: {  	s9 =	sadd.s32 $0xFFFFFEF7, lr;
	s5 =	simm.s32 $0xFFFFFFFF;
	p2 =	slt.u32 s8, $0xFFFFF086  }
0x1c: {  	p1 =	slt.u32 s9, $0xF7A;
	s5 =	simm.s32 @!p2 $0x0  }
0x1d: {  	s5 =	simm.s32 @p1 $0x1;
	p0 =	seq.s32 s7, s2  }
0x1e: {  	s7 =	smul.u32 @!p0 $0xF7A, s2;
	p2 =	seq.s32 @!p0 s5, $0x0  }
0x1f: {  	s9 =	smul.u32 $0xF7A, s1;
	s8 =	simm.s32 @!p0 $0x1BF5;
	p2 =	por !p2, p0  }
0x20: {  	[sflag:s8] =	ssyncset.s32 @!p0 $0xFFFFF086;
	s6 =	sadd.s32 @!p0 s3, s7;
	s7 =	simm.s32 @!p0 $0x108  }
0x21: {  	s3 =	sadd.s32 s3, s9;
	s6 =	sadd.s32 @!p0 $0x88, s6;
	s7 =	simm.s32 @p2 $0x1082  }
0x22: {  	[simem:s7], [sflag:s8] =	dma.local @!p0 [hbm:s6], $0xF7A  }
0x23: {  	s9 =	sor.u32 $0xD0000000, s2;
	s6 =	simm.s32 $0x108;
	_ =	swait.ge @!p0 [sflag:s8], $0x0  }
0x24: {  	s3 =	sadd.s32 $0x88, s3;
	s6 =	simm.s32 @!p1 $0x1082;
	[sflag:s4] =	ssyncset.s32 $0xFFFFF086  }
0x25: {  	[simem:s6], [sflag:s4] =	dma.local [hbm:s3], $0xF7A  }
0x26: {  	[smem:$0x3FA0] =	sst s1;
	(tag) =	ssettag s2;
	_ =	strace s9  }
0x27: {  	s1 =	sld [smem:$0x3FB0]  }
0x28: {  	s2 =	sld [smem:$0x3FB1]  }
0x29: {  	s4 =	sld [smem:$0x3FB3]  }
0x2a: {  	p0 =	seq.s32 s5, $0x0;
	s5 =	sld [smem:$0x3FB4]  }
0x2b: {  	s6 =	sld [smem:$0x3FB5]  }
0x2c: {  	s7 =	sld [smem:$0x3FB6]  }
0x2d: {  	s3 =	simm.s32 $0x108;
	s8 =	sld [smem:$0x3FB7]  }
0x2e: {  	s3 =	simm.s32 @!p0 $0x1082;
	s9 =	sld [smem:$0x3FB8]  }
0x2f: {  	lr =	sadd.s32 s0, s3;
	s0 =	sld [smem:$0x3FAF]  }
0x30: {  	s3 =	sld [smem:$0x3FB2]  }
0x31: {  	[smem:$0x3FBB] =	sst s10  }
0x32: {  	s10 =	sld [smem:$0x3FB9];
	_ =	sdelay $0x3  }
0x33: {  	p0 =	seq.s32 s10, $0x1;
	s10 =	sld [smem:$0x3FBB];
	_ =	sdelay $0x3  }
0x34: {  	[smem:$0x3FBB] =	sst s10  }
0x35: {  	s10 =	sld [smem:$0x3FBA];
	_ =	sdelay $0x3  }
0x36: {  	p1 =	seq.s32 s10, $0x1;
	s10 =	sld [smem:$0x3FBB];
	_ =	sdelay $0x3  }
0x37: {  	[smem:$0x3FBB] =	sst s10  }
0x38: {  	s10 =	sld [smem:$0x3FBC]  }
0x39: {  	_ = 	snop;
	(pc) =	sbr.ind lr, $3  }
0x3a: {  	_ = 	snop  }
0x3b: {  	_ = 	snop  }
0x3c: {  	p2 =	seq.s32 s10, $0x1;
	s10 =	sld [smem:$0x3FBB]  }
0x3d: {  	_ =	shalt  }
0x3e: {  	_ =	shalt  }
0x3f: {  	_ =	shalt  }
0x40: {  	_ =	shalt  }
0x41: {  	_ =	shalt  }
0x42: {  	_ =	shalt  }
0x43: {  	_ =	shalt  }
0x44: {  	_ =	shalt  }
0x45: {  	_ =	shalt  }
0x46: {  	_ =	shalt  }
0x47: {  	_ =	shalt  }
0x48: {  	_ =	shalt  }
0x49: {  	_ =	shalt  }
0x4a: {  	_ =	shalt  }
0x4b: {  	_ =	shalt  }
0x4c: {  	_ =	shalt  }
0x4d: {  	_ =	shalt  }
0x4e: {  	_ =	shalt  }
0x4f: {  	_ =	shalt  }
0x50: {  	_ =	shalt  }
0x51: {  	_ =	shalt  }
0x52: {  	_ =	shalt  }
0x53: {  	_ =	shalt  }
0x54: {  	_ =	shalt  }
0x55: {  	_ =	shalt  }
0x56: {  	_ =	shalt  }
0x57: {  	_ =	shalt  }
0x58: {  	_ =	shalt  }
0x59: {  	_ =	shalt  }
0x5a: {  	_ =	shalt  }
0x5b: {  	_ =	shalt  }
0x5c: {  	_ =	shalt  }
0x5d: {  	_ =	shalt  }
0x5e: {  	_ =	shalt  }
0x5f: {  	_ =	shalt  }
0x60: {  	_ =	shalt  }
0x61: {  	_ =	shalt  }
0x62: {  	_ =	shalt  }
0x63: {  	_ =	shalt  }
0x64: {  	_ =	shalt  }
0x65: {  	_ =	shalt  }
0x66: {  	_ =	shalt  }
0x67: {  	_ =	shalt  }
0x68: {  	_ =	shalt  }
0x69: {  	_ =	shalt  }
0x6a: {  	_ =	shalt  }
0x6b: {  	_ =	shalt  }
0x6c: {  	_ =	shalt  }
0x6d: {  	_ =	shalt  }
0x6e: {  	_ =	shalt  }
0x6f: {  	_ =	shalt  }
0x70: {  	_ =	shalt  }
0x71: {  	_ =	shalt  }
0x72: {  	_ =	shalt  }
0x73: {  	_ =	shalt  }
0x74: {  	_ =	shalt  }
0x75: {  	_ =	shalt  }
0x76: {  	_ =	shalt  }
0x77: {  	_ =	shalt  }
0x78: {  	_ =	shalt  }
0x79: {  	_ =	shalt  }
0x7a: {  	_ =	shalt  }
0x7b: {  	_ =	shalt  }
0x7c: {  	_ =	shalt  }
0x7d: {  	_ =	shalt  }
0x7e: {  	_ =	shalt  }
0x7f: {  	_ =	shalt  }
0x80: {  	_ =	shalt  }
0x81: {  	_ =	shalt  }
0x82: {  	_ =	shalt  }
0x83: {  	_ =	shalt  }
0x84: {  	_ =	shalt  }
0x85: {  	_ =	shalt  }
0x86: {  	_ =	shalt  }
0x87: {  	_ =	shalt  }
.Lfunc_end0:
.L_simem_size_0:
called_computation.1_lowered:
.L_overlay_start_0:
0x88: {  	s2 =	sld [smem:$0x3FD9]  }
0x89: {  	s3 =	sld [smem:$0x3FFE];
	_ =	sdelay $0x1  }
0x8a: {  	s1 =	srdreg.scid  }
0x8b: {  	s0 =	sand.u32 $0x1, s1  }
0x8c: {  	s17 =	sshll.u32 s0, $0xA;
	s2 =	sadd.s32 s3, s2  }
0x8d: {  	s2 =	sadd.s32 s2, s17  }
0x8e: {  	[smem:$0x3FC7] =	sst s2  }
0x8f: {  	_ = 	snop  }
0x90: {  	s2 =	sld [smem:$0x3FD0];
	(tm) =	ssettm $0x1  }
0x91: {  	s18 =	sld [smem:$0x3FFB];
	_ =	sdelay $0x3  }
0x92: {  	_ =	strace s18  }
0x93: {  	s3 =	sld [smem:$0x3FFC];
	_ =	sdelay $0x3  }
0x94: {  	_ =	strace s3  }
0x95: {  	s3 =	sld [smem:$0x3FFD];
	_ =	sdelay $0x3  }
0x96: {  	_ =	strace s3  }
0x97: {  	_ =	strace $0x8FFFFFFF  }
0x98: {  	s19 =	sld [smem:$0x3FDB];
	_ =	sdelay $0x1  }
0x99: {  	s4 =	simm.s32 $_scs_section_size  }
0x9a: {  	s5 =	simm.s32 $_size__tile_overlayer_lowered;
	s6 =	simm.s32 $_tile_overlayer_lowered  }
0x9b: {  	s22 =	simm.s32 $0x1BFF;
	s21 =	sshll.u32 s6, $0x1;
	s3 =	sadd.s32 s4, s19  }
0x9c: {  	s7 =	simm.s32 $0x0;
	s20 =	sshll.u32 s5, $0x1;
	s5 =	sadd.s32 s21, s3  }
0x9d: {  	[timem:s7], [sflag:s22] =	dma.local [hbm:s5], s20  }
0x9e: {  	_ =	swait.ge [sflag:s22], s20  }
0x9f: {  	s4 =	ssub.s32 $0x0, s20;
	[sflag:s22] =	ssyncset.done $0x0  }
0xa0: {  	[sflag:s22] =	ssyncadd.s32 s4;
	_ =	sdelay $0x1  }
0xa1: {  	s23 =	simm.s32 $0x1B8B  }
0xa2: {  	_ =	swait.ge [sflag:s23], $0x1  }
0xa3: {  	[sflag:s23] =	ssyncset.done $0x0  }
0xa4: {  	s25 =	simm.s32 $0x1B8E;
	s24 =	sld [smem:$0x3FFE];
	[sflag:s23] =	ssyncadd.s32 $0xFFFFFFFF  }
0xa5: {  	s26 =	simm.s32 $execute0_lowered;
	[smem:$0x3FD2] =	sst s25  }
0xa6: {  	s5 =	sshll.u32 s26, $0x1;
	_ =	strace $0x80000049;
	[dreg:$0x1] =	wrdreg $0xFFFFFFFF  }
0xa7: {  	s28 =	simm.s32 $_size_execute0_lowered;
	s3 =	sadd.s32 s3, s5;
	[dreg:$0x0] =	wrdreg $0x0  }
0xa8: {  	s5 =	sshll.u32 s28, $0x1;
	[dreg:$0x2] =	wrdreg s3  }
0xa9: {  	[dreg:$0x3] =	wrdreg s5  }
0xaa: {  	[dreg:$0x4] =	wrdreg $0xC0  }
0xab: {  	_ =	task [dreg:s7], $0x5FFFF  }
0xac: {  	[dreg:$0x1] =	wrdreg $0xFFFFFFFF  }
0xad: {  	[dreg:$0x0] =	wrdreg $0x60  }
0xae: {  	[dreg:$0x2] =	wrdreg s2  }
0xaf: {  	[dreg:$0x3] =	wrdreg s24  }
0xb0: {  	[dreg:$0x4] =	wrdreg $0x9  }
0xb1: {  	_ =	task.clear_ibuf [dreg:s7], $0x5FFFF;
	_ =	strace $0x90000049  }
0xb2: {  	s29 =	simm.s32 $0x9;
	_ =	strace $0x8000004B  }
0xb3: {  	_ =	swait.ge [sflag:s29], $0x1  }
0xb4: {  	[sflag:s29] =	ssyncadd.s32 $0xFFFFFFFF  }
0xb5: {  	_ =	strace $0x9000004B  }
0xb6: {  	_ =	sfence  }
0xb7: {  	s30 =	sld [smem:$0x0];
	_ =	sdelay $0x2  }
0xb8: {  	s31 =	sshll.u32 s1, $0xD;
	s1 =	sshrl.u32 s1, $0x2  }
0xb9: {  	s3 =	sand.u32 $0x4000, s31;
	s1 =	sadd.s32 s1, s30  }
0xba: {  	s0 =	sor.u32 s3, s0;
	s1 =	sshll.u32 s1, $0x11  }
0xbb: {  	s0 =	sor.u32 s1, s0  }
0xbc: {  	s0 =	sadd.s32 $0x8F2B, s0  }
0xbd: {  	[sflag:s0] =	ssyncadd.remote.s32 $0x1  }
0xbe: {  	_ =	sfence.sel $0xFFFF  }
0xbf: {  	[dreg:$0x0] =	wrdreg $0xFFFFFFFF;
	(pc) =	sbr.abs _section_cstart, $3  }
0xc0: {  	[dreg:$0x1] =	wrdreg $0xFFFFFFFF  }
0xc1: {  	_ =	task.clear_ibuf [dreg:s7], $0x2FFFF;
	_ =	strace $0x9FFFFFFF  }
0xc2: {  	(tm) =	ssettm $0x7FFFFFFF  }
0xc3: {  	_ =	shalt  }
tec
execute0_lowered:
.L_overlay_start_1:
0x0: {  	(tag) =	ssettag $0x1  }
0x1: {  	s1 =	rddreg [dreg:$0x0]  }
0x2: {  	s6 =	rddreg [dreg:$0x1]  }
0x3: {  	s0 =	rddreg [dreg:$0x2];
	s4 =	srdreg.scid  }
0x4: {  	s3 =	simm.s32 $0x0;
	s2 =	stileid.u32;
	s12 =	simm.s32 $0x5  }
0x5: {  	s13 =	simm.s32 $0x1000;
	s14 =	simm.s32 $0x5000;
	s15 =	simm.s32 $0x1  }
0x6: {  	s16 =	simm.s32 $0x9000;
	s17 =	simm.s32 $0x2;
	s18 =	simm.s32 $0x4  }
0x7: {  	s19 =	simm.s32 $0xD000;
	s20 =	simm.s32 $0x3;
	s21 =	simm.s32 $0x0  }
0x8: {  	s7 =	sand.u32 $0x1, s4;
	[smem:$0x7FF] =	sst s3;
	s30 =	sshll.u32 s2, $0x15  }
.Ltmp0:
0x9: {  	s5 =	sshll.u32 s7, $0x14;
	_ =	strace $0x8000004A;
	(pc) =	sbr.rel .LBB2_1-.Ltmp0, $4  }
0xa: {  	s8 =	ssub.s32 $0x2, s7;
	s4 =	sor.u32 s5, s30;
	s5 =	sadd.s32 $0x1800, s6  }
0xb: {  	s6 =	sadd.s32 $0x1A00, s6;
	s9 =	sshrl.u32 s8, $0x1;
	s31 =	sshrl.u32 s4, $0x3  }
0xc: {  	s11 =	ssub.s32 s8, s9;
	s9 =	sor.u32 $0x8000, s4;
	s7 =	sadd.s32 s1, s31  }
0xd: {  	s10 =	sor.u32 $0xC000, s4;
	s11 =	smax.u32 s11, $0x1;
	s8 =	sadd.s32 $0x800, s7  }
.LBB2_12:
0xe: {  	s21 =	sadd.s32 $0x1, s21  }
0xf: {  	_ =	swait.ge [sflag:s20], $0x4000;
	p0 =	sne.s32 s21, s11  }
.Ltmp1:
0x10: {  	[sflag:s20] =	ssyncset.done $0x0;
	(pc) =	sbr.rel @!p0 .LBB2_13-.Ltmp1, $4  }
0x11: {  	[sflag:s20] =	ssyncadd.s32 $0xFFFFC000  }
0x12: {  	_ =	swait.ge [sflag:s18], $0x4000  }
0x13: {  	[sflag:s18] =	ssyncset.done $0x0  }
0x14: {  	[sflag:s18] =	ssyncadd.s32 $0xFFFFC000  }
.LBB2_1:
0x15: {  	[tilespmem:s3], [sflag:$0x5] =	stream.linear.gather [hbm4b:s5+s3], $0x1000, $0x38;
	[tilespmem:$0x11000] =	vst v63  }
0x16: {  	_ =	swait.ge [sflag:s12], $0x1000  }
0x17: {  	[sflag:s12] =	ssyncset.done $0x0  }
0x18: {  	[sflag:s12] =	ssyncadd.s32 $0xFFFFF000  }
0x19: {  	[tilespmem:s13], [sflag:$0x1] =	stream.linear.gather [hbm4b:s7+s3], $0x4000, $0x38;
	[tilespmem:$0x11000] =	vst v63  }
0x1a: {  	s22 =	simm.s32 $0x0  }
0x1b: {  	[tilespmem:s14], [sflag:$0x2] =	stream.linear.gather [hbm4b:s8+s3], $0x4000, $0x38;
	[tilespmem:$0x11000] =	vst v63  }
.LBB2_2:
0x1c: {  	_ =	swait.ge [sflag:s15], $0x4000  }
0x1d: {  	p0 =	seq.s32 s22, $0x0;
	[sflag:s15] =	ssyncset.done $0x0  }
0x1e: {  	s23 =	simm.s32 @!p0 $0x3;
	[sflag:s15] =	ssyncadd.s32 $0xFFFFC000  }
0x1f: {  	_ =	swait.ge @!p0 [sflag:s23], $0x4000  }
0x20: {  	[sflag:s23] =	ssyncset.done @!p0 $0x0  }
0x21: {  	s26 =	simm.s32 $0x20;
	[sflag:s23] =	ssyncadd.s32 @!p0 $0xFFFFC000  }
0x22: {  	v4 =	vld [tilespmem:s26+$0x10]  }
0x23: {  	v5 =	vld [tilespmem:s26+$0x0]  }
0x24: {  	v6 =	vld [tilespmem:s26+$0xFFFFFFF0]  }
0x25: {  	v7 =	vld [tilespmem:s26+$0xFFFFFFE0];
	_ =	sdelay $0x4  }
0x26: {  	v0 =	vld.idx.msk [tilespmem:v4+s13+$0x0], $0xffff  }
0x27: {  	v1 =	vld.idx.msk [tilespmem:v5+s13+$0x0], $0xffff  }
0x28: {  	v8 =	vadd.s32 $0x1000, v5;
	v3 =	vld.idx.msk [tilespmem:v6+s13+$0x0], $0xffff  }
0x29: {  	v10 =	vadd.s32 $0x1000, v6;
	v9 =	vld.idx.msk [tilespmem:v7+s13+$0x0], $0xffff  }
0x2a: {  	s24 =	simm.s32 $0xB010;
	s25 =	simm.s32 $0x60;
	v11 =	vadd.s32 $0x1000, v7  }
0x2b: {  	v2 =	vadd.s32 $0x1000, v4;
	[tilespmem:s24+$0xFFFFE020] =	vst v0;
	v0 =	vld [tilespmem:s25+$0xFFFFFFE0]  }
0x2c: {  	[tilespmem:s24+$0xFFFFE010] =	vst v1;
	v1 =	vld [tilespmem:s25+$0x10]  }
0x2d: {  	[tilespmem:s24+$0xFFFFE000] =	vst v3;
	v8 =	vld.idx.msk [tilespmem:v8+s13+$0x0], $0xffff  }
0x2e: {  	[tilespmem:s24+$0xFFFFDFF0] =	vst v9;
	v9 =	vld.idx.msk [tilespmem:v10+s13+$0x0], $0xffff;
	v10 =	vadd.s32 $0x2000, v5  }
0x2f: {  	v13 =	vadd.s32 $0x2000, v6;
	v11 =	vld.idx.msk [tilespmem:v11+s13+$0x0], $0xffff  }
0x30: {  	v14 =	vadd.s32 $0x2000, v7;
	v12 =	vld.idx.msk [tilespmem:v2+s13+$0x0], $0xffff  }
0x31: {  	v15 =	vadd.s32 $0x2000, v4;
	v3 =	vld [tilespmem:s25+$0x0]  }
0x32: {  	s31 =	simm.s32 $0x0;
	v2 =	vld [tilespmem:s25+$0xFFFFFFF0];
	[tilespmem:s24+$0xFFFFF010] =	vst v8  }
0x33: {  	s28 =	sand.u32 $0xFC0, s31;
	[tilespmem:s24+$0xFFFFF000] =	vst v9;
	v8 =	vld.idx.msk [tilespmem:v10+s13+$0x0], $0xffff  }
0x34: {  	[tilespmem:s28+$0xA000] =	vst v11;
	v9 =	vld.idx.msk [tilespmem:v13+s13+$0x0], $0xffff  }
0x35: {  	[tilespmem:s24+$0xFFFFF020] =	vst v12;
	v10 =	vld.idx.msk [tilespmem:v14+s13+$0x0], $0xffff  }
0x36: {  	v5 =	vadd.s32 $0x3000, v5;
	v11 =	vld.idx.msk [tilespmem:v15+s13+$0x0], $0xffff  }
0x37: {  	v7 =	vadd.s32 $0x3000, v7;
	v60 =	vld.idx.msk [tilespmem:v0+s13+$0x0], $0xffff  }
0x38: {  	v4 =	vadd.s32 $0x3000, v4;
	v61 =	vld.idx.msk [tilespmem:v1+s13+$0x0], $0xffff  }
0x39: {  	v62 =	vadd.s32 $0x3000, v6;
	v63 =	vld.idx.msk [tilespmem:v3+s13+$0x0], $0xffff;
	[tilespmem:s24+$0x10] =	vst v8  }
0x3a: {  	v16 =	vld.idx.msk [tilespmem:v2+s13+$0x0], $0xffff;
	v8 =	vadd.s32 $0x1000, v1;
	[tilespmem:s24+$0x0] =	vst v9  }
0x3b: {  	v9 =	vadd.s32 $0x1000, v3;
	[tilespmem:s28+$0xB000] =	vst v10;
	v17 =	vld.idx.msk [tilespmem:v5+s13+$0x0], $0xffff  }
0x3c: {  	s26 =	simm.s32 $0xB050;
	v18 =	vadd.s32 $0x1000, v2;
	[tilespmem:s24+$0x20] =	vst v11;
	v7 =	vld.idx.msk [tilespmem:v7+s13+$0x0], $0xffff  }
0x3d: {  	v11 =	vadd.s32 $0x1000, v0;
	[tilespmem:s26+$0xFFFFDFF0] =	vst v60;
	v6 =	vld.idx.msk [tilespmem:v4+s13+$0x0], $0xffff  }
0x3e: {  	[tilespmem:s26+$0xFFFFE020] =	vst v61;
	v5 =	vld.idx.msk [tilespmem:v62+s13+$0x0], $0xffff  }
0x3f: {  	[tilespmem:s26+$0xFFFFE010] =	vst v63;
	v8 =	vld.idx.msk [tilespmem:v8+s13+$0x0], $0xffff  }
0x40: {  	[tilespmem:s26+$0xFFFFE000] =	vst v16;
	v10 =	vld.idx.msk [tilespmem:v9+s13+$0x0], $0xffff  }
0x41: {  	s29 =	simm.s32 $0x40;
	s30 =	simm.s32 $0x40;
	s23 =	sshll.u32 s22, $0xF;
	v4 =	vadd.s32 $0x2000, v3;
	v9 =	vld.idx.msk [tilespmem:v18+s13+$0x0], $0xffff;
	[tilespmem:s24+$0x1010] =	vst v17  }
.LBB2_3:
0x42: {  	s29 =	sadd.s32 $0x40, s29;
	v11 =	vld.idx.msk [tilespmem:v11+s13+$0x0], $0xffff;
	s25 =	sadd.s32 $0x40, s25;
	[tilespmem:s28+$0xC000] =	vst v7  }
0x43: {  	v12 =	vadd.s32 $0x2000, v2;
	v7 =	vld [tilespmem:s25+$0xFFFFFFE0];
	p1 =	slt.u32 s29, $0xFC0;
	[tilespmem:s24+$0x1020] =	vst v6  }
0x44: {  	v13 =	vadd.s32 $0x2000, v0;
	v6 =	vld [tilespmem:s25+$0x10];
	[tilespmem:s24+$0x1000] =	vst v5;
	s24 =	smov.u32 s26  }
0x45: {  	v5 =	vld [tilespmem:s25+$0x0];
	[tilespmem:s26+$0xFFFFF020] =	vst v8;
	v8 =	vadd.s32 $0x2000, v1  }
0x46: {  	v14 =	vld [tilespmem:s25+$0xFFFFFFF0];
	[tilespmem:s26+$0xFFFFF010] =	vst v10  }
0x47: {  	s28 =	sand.u32 $0xFC0, s30;
	s30 =	smov.u32 s29;
	[tilespmem:s26+$0xFFFFF000] =	vst v9;
	v9 =	vld.idx.msk [tilespmem:v4+s13+$0x0], $0xffff  }
0x48: {  	[tilespmem:s28+$0xA000] =	vst v11;
	v10 =	vld.idx.msk [tilespmem:v12+s13+$0x0], $0xffff  }
0x49: {  	v11 =	vld.idx.msk [tilespmem:v13+s13+$0x0], $0xffff  }
0x4a: {  	v12 =	vadd.s32 $0x3000, v3;
	v4 =	vadd.s32 $0x2000, v5;
	v8 =	vld.idx.msk [tilespmem:v8+s13+$0x0], $0xffff;
	v3 =	vmov v5  }
0x4b: {  	v15 =	vadd.s32 $0x3000, v0;
	v0 =	vmov v7;
	v13 =	vld.idx.msk [tilespmem:v7+s13+$0x0], $0xffff  }
0x4c: {  	v17 =	vadd.s32 $0x3000, v2;
	v18 =	vadd.s32 $0x3000, v1;
	v1 =	vmovc v6;
	v2 =	vmov v14;
	v16 =	vld.idx.msk [tilespmem:v6+s13+$0x0], $0xffff  }
0x4d: {  	v19 =	vld.idx.msk [tilespmem:v5+s13+$0x0], $0xffff;
	[tilespmem:s26+$0x10] =	vst v9  }
0x4e: {  	v9 =	vld.idx.msk [tilespmem:v14+s13+$0x0], $0xffff;
	v14 =	vadd.s32 $0x1000, v1;
	[tilespmem:s26+$0x0] =	vst v10  }
0x4f: {  	v10 =	vadd.s32 $0x1000, v3;
	[tilespmem:s28+$0xB000] =	vst v11;
	v12 =	vld.idx.msk [tilespmem:v12+s13+$0x0], $0xffff  }
0x50: {  	v20 =	vadd.s32 $0x1000, v2;
	s26 =	sadd.s32 $0x40, s26;
	v7 =	vld.idx.msk [tilespmem:v15+s13+$0x0], $0xffff;
	[tilespmem:s24+$0x20] =	vst v8  }
.Ltmp2:
0x51: {  	v11 =	vadd.s32 $0x1000, v0;
	[tilespmem:s26+$0xFFFFDFF0] =	vst v13;
	v6 =	vld.idx.msk [tilespmem:v18+s13+$0x0], $0xffff;
	(pc) =	sbr.rel @p1 .LBB2_3-.Ltmp2, $4  }
0x52: {  	[tilespmem:s26+$0xFFFFE020] =	vst v16;
	v5 =	vld.idx.msk [tilespmem:v17+s13+$0x0], $0xffff  }
0x53: {  	[tilespmem:s26+$0xFFFFE010] =	vst v19;
	v8 =	vld.idx.msk [tilespmem:v14+s13+$0x0], $0xffff  }
0x54: {  	[tilespmem:s26+$0xFFFFE000] =	vst v9;
	v10 =	vld.idx.msk [tilespmem:v10+s13+$0x0], $0xffff  }
0x55: {  	v9 =	vld.idx.msk [tilespmem:v20+s13+$0x0], $0xffff;
	[tilespmem:s24+$0x1010] =	vst v12  }
0x56: {  	_ =	sdelay $0x2  }
0x57: {  	v13 =	vadd.s32 $0x2000, v1  }
0x58: {  	v11 =	vld.idx.msk [tilespmem:v11+s13+$0x0], $0xffff;
	v14 =	vadd.s32 $0x2000, v2  }
0x59: {  	v12 =	vadd.s32 $0x2000, v0  }
0x5a: {  	[tilespmem:s26+$0xFFFFF010] =	vst v10  }
0x5b: {  	[tilespmem:s26+$0xFFFFF020] =	vst v8;
	v4 =	vld.idx.msk [tilespmem:v4+s13+$0x0], $0xffff  }
0x5c: {  	s25 =	sand.u32 $0xFC0, s30;
	v3 =	vadd.s32 $0x3000, v3;
	[tilespmem:s26+$0xFFFFF000] =	vst v9;
	v59 =	vld.idx.msk [tilespmem:v13+s13+$0x0], $0xffff  }
0x5d: {  	v62 =	vadd.s32 $0x3000, v1;
	[tilespmem:s25+$0xA000] =	vst v11;
	v61 =	vld.idx.msk [tilespmem:v14+s13+$0x0], $0xffff  }
0x5e: {  	v63 =	vadd.s32 $0x3000, v2;
	v58 =	vld.idx.msk [tilespmem:v12+s13+$0x0], $0xffff  }
0x5f: {  	v60 =	vadd.s32 $0x3000, v0;
	[tilespmem:s28+$0xC000] =	vst v7  }
0x60: {  	[tilespmem:s26+$0x10] =	vst v4  }
0x61: {  	v3 =	vld.idx.msk [tilespmem:v3+s13+$0x0], $0xffff;
	[tilespmem:s26+$0x20] =	vst v59  }
0x62: {  	[tilespmem:s26+$0x0] =	vst v61;
	v1 =	vld.idx.msk [tilespmem:v62+s13+$0x0], $0xffff  }
0x63: {  	[tilespmem:s25+$0xB000] =	vst v58;
	v2 =	vld.idx.msk [tilespmem:v63+s13+$0x0], $0xffff  }
0x64: {  	[tilespmem:s24+$0x1020] =	vst v6;
	v0 =	vld.idx.msk [tilespmem:v60+s13+$0x0], $0xffff  }
0x65: {  	p1 =	sne.s32 s22, $0x1F;
	[tilespmem:s24+$0x1000] =	vst v5  }
.Ltmp3:
0x66: {  	[tilespmem:s26+$0x1010] =	vst v3;
	(pc) =	sbr.rel @p1 .LBB2_6-.Ltmp3, $4  }
0x67: {  	s30 =	sor.u32 s4, s23;
	[tilespmem:s26+$0x1020] =	vst v1  }
0x68: {  	s24 =	sshrl.u32 s30, $0x3;
	[tilespmem:s26+$0x1000] =	vst v2  }
0x69: {  	s31 =	sadd.s32 s6, s24;
	[tilespmem:s25+$0xC000] =	vst v0  }
0x6a: {  	[hbm4b:s31+s3] =	stream.linear.scatter [tilespmem:s16], [sflag:$0x3], $0x4000, $0x38;
	[tilespmem:$0x11000] =	vst v63  }
.Ltmp4:
0x6b: {  	(pc) =	sbr.rel .LBB2_7-.Ltmp4, $4  }
0x6c: {  	_ = 	snop  }
0x6d: {  	_ =	swait.ge [sflag:s17], $0x4000  }
0x6e: {  	[sflag:s17] =	ssyncset.done $0x0  }
0x6f: {  	[sflag:s17] =	ssyncadd.s32 $0xFFFFC000  }
.LBB2_6:
0x70: {  	s25 =	sadd.s32 s23, s9  }
0x71: {  	s25 =	sshrl.u32 s25, $0x3  }
.Ltmp5:
0x72: {  	s25 =	sadd.s32 s1, s25;
	(pc) =	sbr.rel @p0 .LBB2_8-.Ltmp5, $4  }
0x73: {  	[tilespmem:s13], [sflag:$0x1] =	stream.linear.gather [hbm4b:s25+s3], $0x4000, $0x38;
	[tilespmem:$0x11000] =	vst v63  }
0x74: {  	_ =	swait.ge [sflag:s17], $0x4000  }
0x75: {  	[sflag:s17] =	ssyncset.done $0x0  }
0x76: {  	[sflag:s17] =	ssyncadd.s32 $0xFFFFC000  }
.LBB2_7:
0x77: {  	_ =	swait.ge [sflag:s18], $0x4000  }
0x78: {  	[sflag:s18] =	ssyncset.done $0x0  }
0x79: {  	[sflag:s18] =	ssyncadd.s32 $0xFFFFC000  }
.LBB2_8:
0x7a: {  	s25 =	simm.s32 $0x20  }
0x7b: {  	v4 =	vld [tilespmem:s25+$0x10]  }
0x7c: {  	v5 =	vld [tilespmem:s25+$0x0]  }
0x7d: {  	v6 =	vld [tilespmem:s25+$0xFFFFFFF0]  }
0x7e: {  	v7 =	vld [tilespmem:s25+$0xFFFFFFE0];
	_ =	sdelay $0x4  }
0x7f: {  	v0 =	vld.idx.msk [tilespmem:v4+s14+$0x0], $0xffff  }
0x80: {  	v1 =	vld.idx.msk [tilespmem:v5+s14+$0x0], $0xffff  }
0x81: {  	v8 =	vadd.s32 $0x1000, v5;
	v3 =	vld.idx.msk [tilespmem:v6+s14+$0x0], $0xffff  }
0x82: {  	v10 =	vadd.s32 $0x1000, v6;
	v9 =	vld.idx.msk [tilespmem:v7+s14+$0x0], $0xffff  }
0x83: {  	s26 =	simm.s32 $0x60;
	s25 =	simm.s32 $0xF010;
	v11 =	vadd.s32 $0x1000, v7  }
0x84: {  	v2 =	vadd.s32 $0x1000, v4;
	[tilespmem:s25+$0xFFFFE020] =	vst v0;
	v0 =	vld [tilespmem:s26+$0xFFFFFFE0]  }
0x85: {  	[tilespmem:s25+$0xFFFFE010] =	vst v1;
	v1 =	vld [tilespmem:s26+$0x10]  }
0x86: {  	[tilespmem:s25+$0xFFFFE000] =	vst v3;
	v8 =	vld.idx.msk [tilespmem:v8+s14+$0x0], $0xffff  }
0x87: {  	[tilespmem:s25+$0xFFFFDFF0] =	vst v9;
	v9 =	vld.idx.msk [tilespmem:v10+s14+$0x0], $0xffff;
	v10 =	vadd.s32 $0x2000, v5  }
0x88: {  	v13 =	vadd.s32 $0x2000, v6;
	v11 =	vld.idx.msk [tilespmem:v11+s14+$0x0], $0xffff  }
0x89: {  	v14 =	vadd.s32 $0x2000, v7;
	v12 =	vld.idx.msk [tilespmem:v2+s14+$0x0], $0xffff  }
0x8a: {  	v15 =	vadd.s32 $0x2000, v4;
	v3 =	vld [tilespmem:s26+$0x0]  }
0x8b: {  	s28 =	simm.s32 $0x0;
	v2 =	vld [tilespmem:s26+$0xFFFFFFF0];
	[tilespmem:s25+$0xFFFFF010] =	vst v8  }
0x8c: {  	s29 =	sand.u32 $0xFC0, s28;
	[tilespmem:s25+$0xFFFFF000] =	vst v9;
	v8 =	vld.idx.msk [tilespmem:v10+s14+$0x0], $0xffff  }
0x8d: {  	[tilespmem:s29+$0xE000] =	vst v11;
	v9 =	vld.idx.msk [tilespmem:v13+s14+$0x0], $0xffff  }
0x8e: {  	[tilespmem:s25+$0xFFFFF020] =	vst v12;
	v10 =	vld.idx.msk [tilespmem:v14+s14+$0x0], $0xffff  }
0x8f: {  	v5 =	vadd.s32 $0x3000, v5;
	v11 =	vld.idx.msk [tilespmem:v15+s14+$0x0], $0xffff  }
0x90: {  	v7 =	vadd.s32 $0x3000, v7;
	v60 =	vld.idx.msk [tilespmem:v0+s14+$0x0], $0xffff  }
0x91: {  	v4 =	vadd.s32 $0x3000, v4;
	v61 =	vld.idx.msk [tilespmem:v1+s14+$0x0], $0xffff  }
0x92: {  	v62 =	vadd.s32 $0x3000, v6;
	v63 =	vld.idx.msk [tilespmem:v3+s14+$0x0], $0xffff;
	[tilespmem:s25+$0x10] =	vst v8  }
0x93: {  	v16 =	vld.idx.msk [tilespmem:v2+s14+$0x0], $0xffff;
	v8 =	vadd.s32 $0x1000, v1;
	[tilespmem:s25+$0x0] =	vst v9  }
0x94: {  	v9 =	vadd.s32 $0x1000, v3;
	[tilespmem:s29+$0xF000] =	vst v10;
	v17 =	vld.idx.msk [tilespmem:v5+s14+$0x0], $0xffff  }
0x95: {  	s28 =	simm.s32 $0xF050;
	v18 =	vadd.s32 $0x1000, v2;
	[tilespmem:s25+$0x20] =	vst v11;
	v7 =	vld.idx.msk [tilespmem:v7+s14+$0x0], $0xffff  }
0x96: {  	v11 =	vadd.s32 $0x1000, v0;
	[tilespmem:s28+$0xFFFFDFF0] =	vst v60;
	v6 =	vld.idx.msk [tilespmem:v4+s14+$0x0], $0xffff  }
0x97: {  	[tilespmem:s28+$0xFFFFE020] =	vst v61;
	v5 =	vld.idx.msk [tilespmem:v62+s14+$0x0], $0xffff  }
0x98: {  	[tilespmem:s28+$0xFFFFE010] =	vst v63;
	v8 =	vld.idx.msk [tilespmem:v8+s14+$0x0], $0xffff  }
0x99: {  	[tilespmem:s28+$0xFFFFE000] =	vst v16;
	v10 =	vld.idx.msk [tilespmem:v9+s14+$0x0], $0xffff  }
0x9a: {  	s30 =	simm.s32 $0x40;
	s31 =	simm.s32 $0x40;
	v4 =	vadd.s32 $0x2000, v3;
	v9 =	vld.idx.msk [tilespmem:v18+s14+$0x0], $0xffff;
	[tilespmem:s25+$0x1010] =	vst v17  }
.LBB2_9:
0x9b: {  	s30 =	sadd.s32 $0x40, s30;
	v11 =	vld.idx.msk [tilespmem:v11+s14+$0x0], $0xffff;
	s26 =	sadd.s32 $0x40, s26;
	[tilespmem:s29+$0x10000] =	vst v7  }
0x9c: {  	v12 =	vadd.s32 $0x2000, v2;
	v7 =	vld [tilespmem:s26+$0xFFFFFFE0];
	p0 =	slt.u32 s30, $0xFC0;
	[tilespmem:s25+$0x1020] =	vst v6  }
0x9d: {  	v13 =	vadd.s32 $0x2000, v0;
	v6 =	vld [tilespmem:s26+$0x10];
	[tilespmem:s25+$0x1000] =	vst v5;
	s25 =	smov.u32 s28  }
0x9e: {  	v5 =	vld [tilespmem:s26+$0x0];
	[tilespmem:s28+$0xFFFFF020] =	vst v8;
	v8 =	vadd.s32 $0x2000, v1  }
0x9f: {  	v14 =	vld [tilespmem:s26+$0xFFFFFFF0];
	[tilespmem:s28+$0xFFFFF010] =	vst v10  }
0xa0: {  	s29 =	sand.u32 $0xFC0, s31;
	s31 =	smov.u32 s30;
	[tilespmem:s28+$0xFFFFF000] =	vst v9;
	v9 =	vld.idx.msk [tilespmem:v4+s14+$0x0], $0xffff  }
0xa1: {  	[tilespmem:s29+$0xE000] =	vst v11;
	v10 =	vld.idx.msk [tilespmem:v12+s14+$0x0], $0xffff  }
0xa2: {  	v11 =	vld.idx.msk [tilespmem:v13+s14+$0x0], $0xffff  }
0xa3: {  	v12 =	vadd.s32 $0x3000, v3;
	v4 =	vadd.s32 $0x2000, v5;
	v8 =	vld.idx.msk [tilespmem:v8+s14+$0x0], $0xffff;
	v3 =	vmov v5  }
0xa4: {  	v15 =	vadd.s32 $0x3000, v0;
	v0 =	vmov v7;
	v13 =	vld.idx.msk [tilespmem:v7+s14+$0x0], $0xffff  }
0xa5: {  	v17 =	vadd.s32 $0x3000, v2;
	v18 =	vadd.s32 $0x3000, v1;
	v1 =	vmovc v6;
	v2 =	vmov v14;
	v16 =	vld.idx.msk [tilespmem:v6+s14+$0x0], $0xffff  }
0xa6: {  	v19 =	vld.idx.msk [tilespmem:v5+s14+$0x0], $0xffff;
	[tilespmem:s28+$0x10] =	vst v9  }
0xa7: {  	v9 =	vld.idx.msk [tilespmem:v14+s14+$0x0], $0xffff;
	v14 =	vadd.s32 $0x1000, v1;
	[tilespmem:s28+$0x0] =	vst v10  }
0xa8: {  	v10 =	vadd.s32 $0x1000, v3;
	[tilespmem:s29+$0xF000] =	vst v11;
	v12 =	vld.idx.msk [tilespmem:v12+s14+$0x0], $0xffff  }
0xa9: {  	v20 =	vadd.s32 $0x1000, v2;
	s28 =	sadd.s32 $0x40, s28;
	v7 =	vld.idx.msk [tilespmem:v15+s14+$0x0], $0xffff;
	[tilespmem:s25+$0x20] =	vst v8  }
.Ltmp6:
0xaa: {  	v11 =	vadd.s32 $0x1000, v0;
	[tilespmem:s28+$0xFFFFDFF0] =	vst v13;
	v6 =	vld.idx.msk [tilespmem:v18+s14+$0x0], $0xffff;
	(pc) =	sbr.rel @p0 .LBB2_9-.Ltmp6, $4  }
0xab: {  	[tilespmem:s28+$0xFFFFE020] =	vst v16;
	v5 =	vld.idx.msk [tilespmem:v17+s14+$0x0], $0xffff  }
0xac: {  	[tilespmem:s28+$0xFFFFE010] =	vst v19;
	v8 =	vld.idx.msk [tilespmem:v14+s14+$0x0], $0xffff  }
0xad: {  	[tilespmem:s28+$0xFFFFE000] =	vst v9;
	v10 =	vld.idx.msk [tilespmem:v10+s14+$0x0], $0xffff  }
0xae: {  	v9 =	vld.idx.msk [tilespmem:v20+s14+$0x0], $0xffff;
	[tilespmem:s25+$0x1010] =	vst v12  }
0xaf: {  	_ =	sdelay $0x2  }
0xb0: {  	v13 =	vadd.s32 $0x2000, v1  }
0xb1: {  	v11 =	vld.idx.msk [tilespmem:v11+s14+$0x0], $0xffff;
	v14 =	vadd.s32 $0x2000, v2  }
0xb2: {  	v12 =	vadd.s32 $0x2000, v0  }
0xb3: {  	[tilespmem:s28+$0xFFFFF010] =	vst v10  }
0xb4: {  	[tilespmem:s28+$0xFFFFF020] =	vst v8;
	v4 =	vld.idx.msk [tilespmem:v4+s14+$0x0], $0xffff  }
0xb5: {  	s26 =	sand.u32 $0xFC0, s31;
	v3 =	vadd.s32 $0x3000, v3;
	[tilespmem:s28+$0xFFFFF000] =	vst v9;
	v59 =	vld.idx.msk [tilespmem:v13+s14+$0x0], $0xffff  }
0xb6: {  	v62 =	vadd.s32 $0x3000, v1;
	[tilespmem:s26+$0xE000] =	vst v11;
	v61 =	vld.idx.msk [tilespmem:v14+s14+$0x0], $0xffff  }
0xb7: {  	v63 =	vadd.s32 $0x3000, v2;
	v58 =	vld.idx.msk [tilespmem:v12+s14+$0x0], $0xffff  }
0xb8: {  	v60 =	vadd.s32 $0x3000, v0;
	[tilespmem:s29+$0x10000] =	vst v7  }
0xb9: {  	[tilespmem:s28+$0x10] =	vst v4  }
0xba: {  	v3 =	vld.idx.msk [tilespmem:v3+s14+$0x0], $0xffff;
	[tilespmem:s28+$0x20] =	vst v59  }
0xbb: {  	[tilespmem:s28+$0x0] =	vst v61;
	v1 =	vld.idx.msk [tilespmem:v62+s14+$0x0], $0xffff  }
0xbc: {  	[tilespmem:s26+$0xF000] =	vst v58;
	v2 =	vld.idx.msk [tilespmem:v63+s14+$0x0], $0xffff  }
0xbd: {  	[tilespmem:s25+$0x1020] =	vst v6;
	v0 =	vld.idx.msk [tilespmem:v60+s14+$0x0], $0xffff  }
0xbe: {  	p0 =	seq.s32 s22, $0x1F;
	[tilespmem:s25+$0x1000] =	vst v5  }
.Ltmp7:
0xbf: {  	[tilespmem:s28+$0x1010] =	vst v3;
	(pc) =	sbr.rel @p0 .LBB2_12-.Ltmp7, $4  }
0xc0: {  	[tilespmem:s28+$0x1020] =	vst v1  }
0xc1: {  	s24 =	sadd.s32 s24, s6;
	[tilespmem:s28+$0x1000] =	vst v2  }
0xc2: {  	s24 =	sadd.s32 $0x800, s24;
	[tilespmem:s26+$0x10000] =	vst v0  }
0xc3: {  	[hbm4b:s24+s3] =	stream.linear.scatter [tilespmem:s19], [sflag:$0x4], $0x4000, $0x38;
	[tilespmem:$0x11000] =	vst v63  }
.Ltmp8:
0xc4: {  	(pc) =	sbr.rel .LBB2_2-.Ltmp8, $4  }
0xc5: {  	s23 =	sadd.s32 s23, s10  }
0xc6: {  	s23 =	sshrl.u32 s23, $0x3  }
0xc7: {  	s22 =	sadd.s32 $0x1, s22;
	s23 =	sadd.s32 s1, s23  }
0xc8: {  	[tilespmem:s14], [sflag:$0x2] =	stream.linear.gather [hbm4b:s23+s3], $0x4000, $0x38;
	[tilespmem:$0x11000] =	vst v63  }
.LBB2_13:
0xc9: {  	_ =	sfence.sel $0x180000  }
0xca: {  	[bflag:$0x0] =	sbarrier.arrive $0xFFFF  }
0xcb: {  	p0 =	sne.s32 s2, $0x0;
	_ =	strace $0x9000004A  }
0xcc: {  	s0 =	sadd.s32 @!p0 $0x100000, s0;
	[bflag:$0x2] =	sbarrier.arrive $0xFFFF  }
0xcd: {  	[sflag:s0] =	ssyncadd.tile.s32 @!p0 $0x1;
	_ =	shalt  }
.Lfunc_end2:
_tile_overlayer_lowered:
.L_overlay_start_2:
0xce: {  	(tag) =	ssettag $0x2  }
0xcf: {  	s0 =	rddreg [dreg:$0x0];
	s2 =	stileid.u32  }
0xd0: {  	s1 =	rddreg [dreg:$0x1];
	p0 =	sne.s32 s2, $0x0  }
0xd1: {  	s3 =	rddreg [dreg:$0x2];
	[bflag:$0x3] =	sbarrier.arrive $0xFFFF;
	s2 =	simm.s32 @!p0 $0x1C05  }
0xd2: {  	[timem:s3], [sflag:s2] =	dma.local @!p0 [hbm:s0], s1  }
0xd3: {  	s0 =	simm.s32 @!p0 $0x5  }
0xd4: {  	_ =	swait.ge @!p0 [sflag:s0], s1  }
0xd5: {  	s1 =	ssub.s32 @!p0 $0x0, s1;
	[sflag:s0] =	ssyncset.done @!p0 $0x0  }
0xd6: {  	[sflag:s0] =	ssyncadd.s32 @!p0 s1  }
0xd7: {  	[bflag:$0x3] =	sbarrier.arrive $0xFFFF  }
0xd8: {  	_ =	shalt  }

// kernel: sparse-core-data-format-call.cloned.1.call-start
scs
called_computation_lowered:
.L_overlay_start_0:
0x0: {  	s2 =	sld [smem:$0x3FD9]  }
0x1: {  	s3 =	sld [smem:$0x3FFE];
	_ =	sdelay $0x1  }
0x2: {  	s1 =	srdreg.scid  }
0x3: {  	s0 =	sand.u32 $0x1, s1  }
0x4: {  	s19 =	sshll.u32 s0, $0xA;
	s2 =	sadd.s32 s3, s2  }
0x5: {  	s2 =	sadd.s32 s2, s19  }
0x6: {  	[smem:$0x3FC7] =	sst s2  }
0x7: {  	_ = 	snop  }
0x8: {  	s2 =	sld [smem:$0x3FC9]  }
0x9: {  	s20 =	sld [smem:$0x3FD0];
	(tm) =	ssettm $0x1  }
0xa: {  	s4 =	sld [smem:$0x3FFB];
	_ =	sdelay $0x3  }
0xb: {  	_ =	strace s4  }
0xc: {  	s4 =	sld [smem:$0x3FFC];
	_ =	sdelay $0x3  }
0xd: {  	_ =	strace s4  }
0xe: {  	s4 =	sld [smem:$0x3FFD];
	_ =	sdelay $0x3  }
0xf: {  	_ =	strace s4  }
0x10: {  	_ =	strace $0x8FFFFFFF  }
0x11: {  	s21 =	sld [smem:$0x3FDB];
	_ =	sdelay $0x1  }
0x12: {  	s5 =	simm.s32 $_scs_section_size  }
0x13: {  	s6 =	simm.s32 $_size__tile_overlayer_lowered;
	s7 =	simm.s32 $_tile_overlayer_lowered  }
0x14: {  	s24 =	simm.s32 $0x1BFF;
	s23 =	sshll.u32 s7, $0x1;
	s4 =	sadd.s32 s5, s21  }
0x15: {  	s8 =	simm.s32 $0x0;
	s22 =	sshll.u32 s6, $0x1;
	s6 =	sadd.s32 s23, s4  }
0x16: {  	[timem:s8], [sflag:s24] =	dma.local [hbm:s6], s22  }
0x17: {  	_ =	swait.ge [sflag:s24], s22  }
0x18: {  	s5 =	ssub.s32 $0x0, s22;
	[sflag:s24] =	ssyncset.done $0x0  }
0x19: {  	[sflag:s24] =	ssyncadd.s32 s5;
	_ =	sdelay $0x1  }
0x1a: {  	s25 =	simm.s32 $0x1B8B  }
0x1b: {  	_ =	swait.ge [sflag:s25], $0x1  }
0x1c: {  	[sflag:s25] =	ssyncset.done $0x0  }
0x1d: {  	s26 =	simm.s32 $0x1B8E;
	[sflag:s25] =	ssyncadd.s32 $0xFFFFFFFF  }
0x1e: {  	s27 =	simm.s32 $execute0_lowered;
	[smem:$0x3FD2] =	sst s26  }
0x1f: {  	s5 =	sshll.u32 s27, $0x1;
	_ =	strace $0x80000046;
	[dreg:$0x1] =	wrdreg $0xFFFFFFFF  }
0x20: {  	s28 =	simm.s32 $_size_execute0_lowered;
	s4 =	sadd.s32 s4, s5;
	[dreg:$0x0] =	wrdreg $0x0  }
0x21: {  	s5 =	sshll.u32 s28, $0x1;
	[dreg:$0x2] =	wrdreg s4  }
0x22: {  	[dreg:$0x3] =	wrdreg s5  }
0x23: {  	[dreg:$0x4] =	wrdreg $0xC0  }
0x24: {  	_ =	task [dreg:s8], $0x5FFFF  }
0x25: {  	[dreg:$0x1] =	wrdreg $0xFFFFFFFF  }
0x26: {  	[dreg:$0x0] =	wrdreg $0x60  }
0x27: {  	[dreg:$0x2] =	wrdreg s2  }
0x28: {  	[dreg:$0x3] =	wrdreg s20  }
0x29: {  	[dreg:$0x4] =	wrdreg $0x9  }
0x2a: {  	_ =	task.clear_ibuf [dreg:s8], $0x5FFFF;
	_ =	strace $0x90000046  }
0x2b: {  	s29 =	simm.s32 $0x9;
	_ =	strace $0x80000048  }
0x2c: {  	_ =	swait.ge [sflag:s29], $0x1  }
0x2d: {  	[sflag:s29] =	ssyncadd.s32 $0xFFFFFFFF  }
0x2e: {  	_ =	strace $0x90000048  }
0x2f: {  	_ =	sfence  }
0x30: {  	s30 =	sld [smem:$0x0];
	_ =	sdelay $0x2  }
0x31: {  	s31 =	sshll.u32 s1, $0xD;
	s1 =	sshrl.u32 s1, $0x2  }
0x32: {  	s3 =	sand.u32 $0x4000, s31;
	s1 =	sadd.s32 s1, s30  }
0x33: {  	s0 =	sor.u32 s3, s0;
	s1 =	sshll.u32 s1, $0x11  }
0x34: {  	s0 =	sor.u32 s1, s0  }
0x35: {  	s0 =	sadd.s32 $0x8F2B, s0  }
0x36: {  	[sflag:s0] =	ssyncadd.remote.s32 $0x1  }
0x37: {  	_ =	sfence.sel $0xFFFF  }
0x38: {  	[dreg:$0x0] =	wrdreg $0xFFFFFFFF;
	(pc) =	sbr.abs _section_cstart, $3  }
0x39: {  	[dreg:$0x1] =	wrdreg $0xFFFFFFFF  }
0x3a: {  	_ =	task.clear_ibuf [dreg:s8], $0x2FFFF;
	_ =	strace $0x9FFFFFFF  }
0x3b: {  	(tm) =	ssettm $0x7FFFFFFF  }
tec
execute0_lowered:
.L_overlay_start_1:
0x0: {  	(tag) =	ssettag $0x1  }
0x1: {  	s2 =	rddreg [dreg:$0x0]  }
0x2: {  	s3 =	rddreg [dreg:$0x1]  }
0x3: {  	s0 =	rddreg [dreg:$0x2];
	_ =	strace $0x80000047  }
0x4: {  	s4 =	srdreg.scid;
	s1 =	stileid.u32;
	s6 =	simm.s32 $0x2  }
.Ltmp0:
0x5: {  	s11 =	simm.s32 $0x0;
	p0 =	por $0x0, $0x0;
	(pc) =	sbr.rel .LBB1_1-.Ltmp0, $4  }
0x6: {  	s7 =	simm.s32 $0x1000;
	s12 =	simm.s32 $0x0;
	s5 =	sshll.u32 s4, $0x4  }
0x7: {  	s9 =	simm.s32 $0x0;
	s4 =	simm.s32 $0x1;
	s5 =	sand.u32 $0x10, s5  }
0x8: {  	s8 =	simm.s32 $0x0;
	[sflag:s4] =	ssyncpa.u1 $0x0;
	s5 =	sor.u32 s1, s5  }
0x9: {  	[sflag:s6] =	ssyncpa.u1 $0x0;
	s6 =	simm.s32 $0x800;
	s10 =	smov.u32 s5  }
.LBB1_7:
0xa: {  	s13 =	sadd.s32 $0x10, s9  }
0xb: {  	s11 =	sadd.s32 $0x20, s10;
	s15 =	smov.u32 s10;
	p2 =	sgt.s32 s13, $0x1F  }
0xc: {  	p1 =	slt.u32 s8, $0x2;
	s15 =	smov.u32 @p2 s11  }
0xd: {  	s8 =	sadd.s32 $0x1, s8;
	s13 =	simm.s32 @p2 $0x0;
	p2 =	sgt.s32 s15, $0x3FF  }
0xe: {  	s15 =	smov.u32 @p2 s5;
	p2 =	sne.s32 s8, $0x42  }
.Ltmp1:
0xf: {  	_ = 	snop;
	(pc) =	sbr.rel @!p2 .LBB1_8-.Ltmp1, $4  }
0x10: {  	s14 =	simm.s32 @!p1 $0x2  }
0x11: {  	s12 =	smov.u32 s10;
	_ =	swait.ge @!p1 [sflag:s14], $0x4000  }
0x12: {  	p0 =	por !p0, !p0;
	s11 =	smov.u32 s9;
	[sflag:s14] =	ssyncset.done @!p1 $0x0  }
0x13: {  	s9 =	smov.u32 s13;
	[sflag:s14] =	ssyncadd.s32 @!p1 $0xFFFFC000;
	s10 =	smov.u32 s15  }
.LBB1_1:
0x14: {  	p1 =	sgt.u32 s8, $0x3F  }
0x15: {  	s13 =	sxor.u32 @!p1 $0xFFFFFFFF, s8;
	s14 =	sshll.u32 @!p1 s10, $0xC  }
0x16: {  	s15 =	sshll.u32 @!p1 s9, $0x7;
	s13 =	sshll.u32 @!p1 s13, $0xE;
	s14 =	sadd.s32 @!p1 s2, s14  }
0x17: {  	s13 =	sand.u32 @!p1 $0x4000, s13;
	s14 =	sadd.s32 @!p1 s15, s14;
	s15 =	simm.s32 @!p1 $0x0  }
0x18: {  	[tilespmem:s13], [sflag:$0x1] =	stream.linear.gather @!p1 [hbm4b:s14+s15], $0x4000, $0x38;
	[tilespmem:$0x10000] =	vst v63  }
0x19: {  	p1 =	seq.s32 s8, $0x0  }
0x1a: {  	p2 =	seq.s32 @!p1 s8, $0x41  }
0x1b: {  	p1 =	por p1, p2  }
.Ltmp2:
0x1c: {  	_ = 	snop;
	(pc) =	sbr.rel @p1 .LBB1_7-.Ltmp2, $1  }
0x1d: {  	_ =	sdelay $0x3  }
0x1e: {  	s13 =	simm.s32 $0x1;
	_ =	swait.ge [sflag:s4], $0x4000;
	s16 =	sshll.u32 s8, $0xE  }
0x1f: {  	s13 =	simm.s32 @!p0 $0x0;
	[sflag:s4] =	ssyncset.done $0x0;
	s31 =	sand.u32 $0x4000, s16  }
0x20: {  	s16 =	simm.s32 $0x0;
	s14 =	sshll.u32 s13, $0xE;
	[sflag:s4] =	ssyncadd.s32 $0xFFFFC000  }
0x21: {  	s13 =	sor.u32 $0x8040, s14;
	s15 =	sor.u32 $0x40, s14;
	s14 =	sor.u32 $0x8000, s31  }
.LBB1_3:
0x22: {  	v0 =	vmov s15;
	_ =	sdelay $0x3  }
0x23: {  	s18 =	simm.s32 $0x0  }
0x24: {  	v6 =	vld.idx.msk [tilespmem:v0+s18+$0x30 ss:$0x1], $0xffff  }
0x25: {  	v7 =	vld.idx.msk [tilespmem:v0+s18+$0xFFFFFFC0 ss:$0x1], $0xffff  }
0x26: {  	v5 =	vld.idx.msk [tilespmem:v0+s18+$0xFFFFFFD0 ss:$0x1], $0xffff  }
0x27: {  	v4 =	vld.idx.msk [tilespmem:v0+s18+$0xFFFFFFE0 ss:$0x1], $0xffff  }
0x28: {  	v3 =	vld.idx.msk [tilespmem:v0+s18+$0xFFFFFFF0 ss:$0x1], $0xffff  }
0x29: {  	v1 =	vld.idx.msk [tilespmem:v0+s18+$0x0 ss:$0x1], $0xffff  }
0x2a: {  	v2 =	vld.idx.msk [tilespmem:v0+s18+$0x10 ss:$0x1], $0xffff;
	[tilespmem:s13+$0x30] =	vst v6  }
0x2b: {  	s17 =	simm.s32 $0x80;
	s19 =	simm.s32 $0x400;
	[tilespmem:s13+$0xFFFFFFC0] =	vst v7;
	v6 =	vld.idx.msk [tilespmem:v0+s18+$0x20 ss:$0x1], $0xffff;
	s18 =	smov.u32 s13  }
.LBB1_4:
0x2c: {  	p1 =	sne.s32 s19, $0xE00;
	v7 =	vld.idx.msk [tilespmem:v0+s17+$0x30 ss:$0x1], $0xffff;
	[tilespmem:s18+$0xFFFFFFD0] =	vst v5  }
0x2d: {  	v8 =	vld.idx.msk [tilespmem:v0+s17+$0xFFFFFFC0 ss:$0x1], $0xffff;
	[tilespmem:s18+$0xFFFFFFE0] =	vst v4  }
0x2e: {  	v5 =	vld.idx.msk [tilespmem:v0+s17+$0xFFFFFFD0 ss:$0x1], $0xffff;
	[tilespmem:s18+$0xFFFFFFF0] =	vst v3  }
.Ltmp3:
0x2f: {  	v4 =	vld.idx.msk [tilespmem:v0+s17+$0xFFFFFFE0 ss:$0x1], $0xffff;
	[tilespmem:s18+$0x0] =	vst v1;
	(pc) =	sbr.rel @p1 .LBB1_4-.Ltmp3, $4  }
0x30: {  	v3 =	vld.idx.msk [tilespmem:v0+s17+$0xFFFFFFF0 ss:$0x1], $0xffff;
	[tilespmem:s18+$0x10] =	vst v2  }
0x31: {  	v1 =	vld.idx.msk [tilespmem:v0+s17+$0x0 ss:$0x1], $0xffff;
	[tilespmem:s18+$0x20] =	vst v6;
	s18 =	sadd.s32 $0x800, s18  }
0x32: {  	v2 =	vld.idx.msk [tilespmem:v0+s17+$0x10 ss:$0x1], $0xffff;
	[tilespmem:s18+$0x30] =	vst v7  }
0x33: {  	[tilespmem:s18+$0xFFFFFFC0] =	vst v8;
	v6 =	vld.idx.msk [tilespmem:v0+s17+$0x20 ss:$0x1], $0xffff;
	s17 =	sshra.s32 s19, $0x2;
	s19 =	sadd.s32 $0x200, s19  }
0x34: {  	_ =	sdelay $0x2  }
0x35: {  	[tilespmem:s18+$0xFFFFFFD0] =	vst v5  }
0x36: {  	v56 =	vld.idx.msk [tilespmem:v0+s17+$0x30 ss:$0x1], $0xffff;
	[tilespmem:s18+$0xFFFFFFE0] =	vst v4  }
0x37: {  	v57 =	vld.idx.msk [tilespmem:v0+s17+$0xFFFFFFC0 ss:$0x1], $0xffff;
	[tilespmem:s18+$0xFFFFFFF0] =	vst v3  }
0x38: {  	v58 =	vld.idx.msk [tilespmem:v0+s17+$0xFFFFFFD0 ss:$0x1], $0xffff;
	[tilespmem:s18+$0x0] =	vst v1  }
0x39: {  	v59 =	vld.idx.msk [tilespmem:v0+s17+$0xFFFFFFE0 ss:$0x1], $0xffff;
	[tilespmem:s18+$0x10] =	vst v2  }
0x3a: {  	v60 =	vld.idx.msk [tilespmem:v0+s17+$0xFFFFFFF0 ss:$0x1], $0xffff;
	s31 =	sadd.s32 $0x800, s18;
	[tilespmem:s18+$0x20] =	vst v6  }
0x3b: {  	v61 =	vld.idx.msk [tilespmem:v0+s17+$0x0 ss:$0x1], $0xffff;
	[tilespmem:s31+$0x30] =	vst v56  }
0x3c: {  	v62 =	vld.idx.msk [tilespmem:v0+s17+$0x10 ss:$0x1], $0xffff;
	s16 =	sadd.s32 $0x1, s16;
	[tilespmem:s31+$0xFFFFFFC0] =	vst v57  }
0x3d: {  	v63 =	vld.idx.msk [tilespmem:v0+s17+$0x20 ss:$0x1], $0xffff;
	p1 =	sne.s32 s16, $0x10;
	[tilespmem:s31+$0xFFFFFFD0] =	vst v58  }
.Ltmp4:
0x3e: {  	[tilespmem:s31+$0xFFFFFFE0] =	vst v59;
	(pc) =	sbr.rel @p1 .LBB1_3-.Ltmp4, $4  }
0x3f: {  	[tilespmem:s31+$0xFFFFFFF0] =	vst v60  }
0x40: {  	[tilespmem:s31+$0x0] =	vst v61  }
0x41: {  	[tilespmem:s31+$0x10] =	vst v62  }
0x42: {  	s13 =	sadd.s32 $0x80, s13;
	s15 =	sadd.s32 $0x400, s15;
	[tilespmem:s31+$0x20] =	vst v63  }
.Ltmp5:
0x43: {  	(pc) =	sbr.rel .LBB1_7-.Ltmp5, $4  }
0x44: {  	s12 =	sshll.u32 s12, $0xC;
	s11 =	sshll.u32 s11, $0x4  }
0x45: {  	s11 =	sand.u32 $0x1F0, s11;
	s12 =	sadd.s32 s3, s12  }
0x46: {  	s11 =	sadd.s32 s11, s12  }
0x47: {  	[hbm4b:s11+s6] =	stream.strided.scatter [tilespmem:s14], [sflag:$0x2], $0x4000, s7, s6, $0x38;
	[tilespmem:$0x10000] =	vst v63  }
.LBB1_8:
0x48: {  	_ =	sfence.sel $0x180000  }
0x49: {  	s2 =	simm.s32 $0x1;
	[bflag:$0x0] =	sbarrier.arrive $0xFFFF  }
0x4a: {  	s31 =	simm.s32 $0x2;
	[sflag:s2] =	ssyncpa.u1 $0x1  }
0x4b: {  	[sflag:s31] =	ssyncpa.u1 $0x1  }
0x4c: {  	p0 =	sne.s32 s1, $0x0;
	_ =	strace $0x90000047  }
0x4d: {  	s0 =	sadd.s32 @!p0 $0x100000, s0;
	[bflag:$0x2] =	sbarrier.arrive $0xFFFF  }
0x4e: {  	[sflag:s0] =	ssyncadd.tile.s32 @!p0 $0x1;
	_ =	shalt  }
.Lfunc_end1:
_tile_overlayer_lowered:
.L_overlay_start_2:
0x4f: {  	(tag) =	ssettag $0x2  }
0x50: {  	s0 =	rddreg [dreg:$0x0];
	s2 =	stileid.u32  }
0x51: {  	s1 =	rddreg [dreg:$0x1];
	p0 =	sne.s32 s2, $0x0  }
0x52: {  	s3 =	rddreg [dreg:$0x2];
	[bflag:$0x3] =	sbarrier.arrive $0xFFFF;
	s2 =	simm.s32 @!p0 $0x1C01  }
0x53: {  	[timem:s3], [sflag:s2] =	dma.local @!p0 [hbm:s0], s1  }
0x54: {  	s0 =	simm.s32 @!p0 $0x1  }
0x55: {  	_ =	swait.ge @!p0 [sflag:s0], s1  }
0x56: {  	s1 =	ssub.s32 @!p0 $0x0, s1;
	[sflag:s0] =	ssyncset.done @!p0 $0x0  }
0x57: {  	[sflag:s0] =	ssyncadd.s32 @!p0 s1  }
0x58: {  	[bflag:$0x3] =	sbarrier.arrive $0xFFFF  }
0x59: {  	_ =	shalt  }

</sc_bundles>
